<compile_context>
chip_gen: v7x
topology: tpu7x:2x2x1
jax: 0.10.2.dev20260603
libtpu: 0.0.44.dev20260713+nightly
codegen_flags: <defaults>
</compile_context>

<pallas_src>
import functools

import jax
import jax.numpy as jnp
from jax import lax
from jax.experimental import pallas as pl
from jax.experimental.pallas import tpu as pltpu
from jax.experimental.pallas import tpu_sc as plsc

N = 10000
D = 128
NC = 2
NS = 16
NW = NC * NS
CHUNK = 128

E_RAW = 320000
EPW = ((E_RAW + NW * CHUNK - 1) // (NW * CHUNK)) * CHUNK
C_CH = EPW // CHUNK
E_PAD = EPW * NW

RPT = (((N + 1) + NS * 16 - 1) // (NS * 16)) * 16
N_PAD = RPT * NS
NPB = RPT // CHUNK

RB = 2000
GRID = N // RB

_mesh = plsc.VectorSubcoreMesh(core_axis_name="c", subcore_axis_name="s")


@functools.partial(
    pl.kernel,
    out_type=jax.ShapeDtypeStruct((NC, N_PAD), jnp.float32),
    mesh=_mesh,
    scratch_types=[
        pltpu.VMEM((C_CH, CHUNK), jnp.int32),
        pltpu.VMEM((CHUNK,), jnp.float32),
        pltpu.VMEM((RPT,), jnp.float32),
        pltpu.VMEM_SHARED((N_PAD,), jnp.float32),
    ],
)
def _deg_kernel(dst_hbm, deg_hbm, idx_v, ones_v, zer_v, deg_sh):
    cid = lax.axis_index("c")
    sid = lax.axis_index("s")
    wid = sid * NC + cid

    z16 = jnp.zeros((16,), jnp.float32)
    o16 = jnp.ones((16,), jnp.float32)

    def zi(i, _):
        zer_v[pl.ds(i * 16, 16)] = z16
        return 0

    lax.fori_loop(0, RPT // 16, zi, 0)

    def oi(i, _):
        ones_v[pl.ds(i * 16, 16)] = o16
        return 0

    lax.fori_loop(0, CHUNK // 16, oi, 0)

    pltpu.sync_copy(zer_v, deg_sh.at[pl.ds(sid * RPT, RPT)])
    pltpu.sync_copy(dst_hbm.at[wid], idx_v)
    plsc.subcore_barrier()

    def step(j, _):
        pltpu.sync_copy(ones_v, deg_sh.at[idx_v.at[j]], add=True)
        return 0

    lax.fori_loop(0, C_CH, step, 0)
    plsc.subcore_barrier()
    pltpu.sync_copy(
        deg_sh.at[pl.ds(sid * RPT, RPT)],
        deg_hbm.at[cid, pl.ds(sid * RPT, RPT)],
    )


@functools.partial(
    pl.kernel,
    out_type=jax.ShapeDtypeStruct((NC, N_PAD, D), jnp.float32),
    mesh=_mesh,
    scratch_types=[
        pltpu.VMEM((C_CH, CHUNK), jnp.int32),
        pltpu.VMEM((C_CH, CHUNK), jnp.int32),
        pltpu.VMEM((CHUNK, D), jnp.float32),
        pltpu.VMEM_SHARED((N_PAD, D), jnp.float32),
        pltpu.SemaphoreType.DMA,
    ],
)
def _msg_kernel(h_hbm, src_hbm, dst_hbm, out_hbm, sidx_v, didx_v, rows_v,
                acc_sh, sem):
    cid = lax.axis_index("c")
    sid = lax.axis_index("s")
    wid = sid * NC + cid

    z16 = jnp.zeros((16,), jnp.float32)

    def zr(i, _):
        for k in range(D // 16):
            rows_v[i, pl.ds(k * 16, 16)] = z16
        return 0

    lax.fori_loop(0, CHUNK, zr, 0)

    for k in range(NPB):
        pltpu.sync_copy(
            rows_v, acc_sh.at[pl.ds(sid * RPT + k * CHUNK, CHUNK)]
        )

    pltpu.sync_copy(src_hbm.at[wid], sidx_v)
    pltpu.sync_copy(dst_hbm.at[wid], didx_v)
    plsc.subcore_barrier()

    def step(j, _):
        pltpu.async_copy(h_hbm.at[sidx_v.at[j]], rows_v, sem).wait()
        pltpu.sync_copy(rows_v, acc_sh.at[didx_v.at[j]], add=True)
        return 0

    lax.fori_loop(0, C_CH, step, 0)
    plsc.subcore_barrier()

    for k in range(NPB):
        sl = pl.ds(sid * RPT + k * CHUNK, CHUNK)
        pltpu.sync_copy(acc_sh.at[sl], out_hbm.at[cid, sl])


def _mm_body(d0_ref, d1_ref, x_ref, w_ref, h_ref):
    deg = d0_ref[...] + d1_ref[...] + 1.0
    dis = lax.rsqrt(deg)
    h = jnp.dot(x_ref[...], w_ref[...], preferred_element_type=jnp.float32)
    h_ref[...] = h * dis


def _fin_body(a0_ref, a1_ref, hp_ref, d0_ref, d1_ref, b_ref, o_ref):
    deg = d0_ref[...] + d1_ref[...] + 1.0
    dis = lax.rsqrt(deg)
    acc = a0_ref[0] + a1_ref[0] + hp_ref[...]
    o_ref[...] = acc * dis + b_ref[...]


@jax.jit
def kernel(x, edge_index, W, b):
    src = edge_index[0].astype(jnp.int32)
    dst = edge_index[1].astype(jnp.int32)
    e = src.shape[0]
    pad = E_PAD - e
    src_p = jnp.concatenate([src, jnp.zeros((pad,), jnp.int32)])
    dst_p = jnp.concatenate([dst, jnp.full((pad,), N, jnp.int32)])
    src3 = src_p.reshape(NW, C_CH, CHUNK)
    dst3 = dst_p.reshape(NW, C_CH, CHUNK)

    dega = _deg_kernel(dst3)
    d0 = dega[0, :N].reshape(N, 1)
    d1 = dega[1, :N].reshape(N, 1)

    hp = pl.pallas_call(
        _mm_body,
        grid=(GRID,),
        in_specs=[
            pl.BlockSpec((RB, 1), lambda i: (i, 0)),
            pl.BlockSpec((RB, 1), lambda i: (i, 0)),
            pl.BlockSpec((RB, D), lambda i: (i, 0)),
            pl.BlockSpec((D, D), lambda i: (0, 0)),
        ],
        out_specs=pl.BlockSpec((RB, D), lambda i: (i, 0)),
        out_shape=jax.ShapeDtypeStruct((N, D), jnp.float32),
    )(d0, d1, x, W)

    acc = _msg_kernel(hp, src3, dst3)

    out = pl.pallas_call(
        _fin_body,
        grid=(GRID,),
        in_specs=[
            pl.BlockSpec((1, RB, D), lambda i: (0, i, 0)),
            pl.BlockSpec((1, RB, D), lambda i: (1, i, 0)),
            pl.BlockSpec((RB, D), lambda i: (i, 0)),
            pl.BlockSpec((RB, 1), lambda i: (i, 0)),
            pl.BlockSpec((RB, 1), lambda i: (i, 0)),
            pl.BlockSpec((1, D), lambda i: (0, 0)),
        ],
        out_specs=pl.BlockSpec((RB, D), lambda i: (i, 0)),
        out_shape=jax.ShapeDtypeStruct((N, D), jnp.float32),
    )(acc, acc, hp, d0, d1, b.reshape(1, D))
    return out

# --- scband reference (transcript-rebuilt; emitter-appended) ---
"""Pipeline reference for scband-simple-gnn-69088843924162 (READ-ONLY COPY).

The authoritative reference and input builder live on the scoring server;
editing this copy changes nothing except your own understanding.
"""

import jax, jax.numpy as jnp
import numpy as np

N_NODES = 10000
N_EDGES = 320000
D_IN = 128
D_OUT = 128


def setup_inputs(seed: int = 0) -> dict:
    key = jax.random.key(seed)
    k_x, k_e, k_w, k_b = jax.random.split(key, 4)
    x = jax.random.normal(k_x, (N_NODES, D_IN), dtype=jnp.float32)
    edge_index = jax.random.randint(k_e, (2, N_EDGES), 0, N_NODES, dtype=jnp.int64)
    # GCNConv linear weight (no bias inside lin), bias applied after aggregation
    W = jax.random.normal(k_w, (D_IN, D_OUT), dtype=jnp.float32) * (1.0 / np.sqrt(D_IN))
    b = jnp.zeros((D_OUT,), dtype=jnp.float32)
    return {"x": x, "edge_index": edge_index, "W": W, "b": b}


def reference(x, edge_index, W, b):
    # Faithful GCNConv: add self-loops, symmetric normalization, linear, aggregate, bias.
    N = x.shape[0]
    src = edge_index[0]
    dst = edge_index[1]
    self_idx = jnp.arange(N, dtype=edge_index.dtype)
    src = jnp.concatenate([src, self_idx])
    dst = jnp.concatenate([dst, self_idx])
    # degree of A + I computed on destination nodes
    deg = jnp.zeros((N,), dtype=x.dtype).at[dst].add(1.0)
    deg_inv_sqrt = jnp.where(deg > 0, jax.lax.rsqrt(deg), 0.0)
    norm = deg_inv_sqrt[src] * deg_inv_sqrt[dst]
    h = x @ W
    msg = h[src] * norm[:, None]
    out = jnp.zeros((N, h.shape[1]), dtype=h.dtype).at[dst].add(msg)
    return out + b

if __name__ == "__main__":
    import jax
    _d = setup_inputs()
    print(jax.jit(kernel)(*tuple(_d.values())))

</pallas_src>

<mosaic_0001>
#map = affine_map<(d0, d1) -> (0, 0, 0)>
#map1 = affine_map<(d0, d1) -> (0, 0)>
module attributes {stable_mosaic.version = 14 : i64} {
  func.func @_deg_kernel(%arg0: i32, %arg1: i32, %arg2: memref<32x79x128xi32, #tpu.memory_space<hbm>>, %arg3: memref<2x10240xf32, #tpu.memory_space<hbm>>, %arg4: memref<79x128xi32, #tpu.memory_space<vmem>>, %arg5: memref<128xf32, #tpu.memory_space<vmem>>, %arg6: memref<640xf32, #tpu.memory_space<vmem>>, %arg7: memref<10240xf32, #tpu.memory_space<vmem_shared>>) attributes {dimension_semantics = [#tpu.dimension_semantics<core_parallel>, #tpu.dimension_semantics<subcore_parallel>], iteration_bounds = array<i64: 2, 16>, scalar_prefetch = 0 : i64, scratch_operands = 4 : i64, tpu.core_type = #tpu.core_type<sc_vector_subcore>, window_params = [{transform_indices = #map}, {transform_indices = #map1}]} {
    %mul3A = arith.constant 2 : i32
    %mul3A_0 = arith.muli %arg1, %mul3A : i32
    %add3A = arith.addi %mul3A_0, %arg0 : i32
    %broadcast_in_dim3A = arith.constant 0.000000e+00 : f32
    %broadcast_in_dim3A_1 = vector.broadcast %broadcast_in_dim3A : f32 to vector<16xf32>
    %broadcast_in_dim3A_2 = arith.constant 1.000000e+00 : f32
    %broadcast_in_dim3A_3 = vector.broadcast %broadcast_in_dim3A_2 : f32 to vector<16xf32>
    %scan3A = arith.constant 0 : i32
    %scan3A_4 = arith.constant 0 : i32
    %scan3A_5 = arith.constant 40 : i32
    %scan3A_6 = arith.addi %scan3A_4, %scan3A_5 : i32
    %scan3A_7 = arith.constant 1 : i32
    %scan3A_8 = scf.for %scan3A_31 = %scan3A_4 to %scan3A_6 step %scan3A_7 iter_args(%scan3A_32 = %scan3A) -> (i32)  : i32 {
      %mul3A_33 = arith.constant 16 : i32
      %mul3A_34 = arith.muli %scan3A_31, %mul3A_33 : i32
      %swap3A = arith.index_cast %mul3A_34 : i32 to index
      %swap3A_35 = tpu.vector_load %arg6[%swap3A] {strides = array<i32>} : memref<640xf32, #tpu.memory_space<vmem>>, vector<16xf32>,
      %swap3A_36 = vector.shape_cast %swap3A_35 : vector<16xf32> to vector<16xf32>
      %swap3A_37 = vector.shape_cast %broadcast_in_dim3A_1 : vector<16xf32> to vector<16xf32>
      tpu.vector_store %arg6[%swap3A], %swap3A_37 {strides = array<i32>} : memref<640xf32, #tpu.memory_space<vmem>>, vector<16xf32>,
      %scan3A_38 = arith.constant 0 : i32
      scf.yield %scan3A_38 : i32
    }
    %scan3A_9 = arith.constant 40 : i32
    %scan3A_10 = arith.constant 0 : i32
    %scan3A_11 = arith.constant 0 : i32
    %scan3A_12 = arith.constant 8 : i32
    %scan3A_13 = arith.addi %scan3A_11, %scan3A_12 : i32
    %scan3A_14 = arith.constant 1 : i32
    %scan3A_15 = scf.for %scan3A_31 = %scan3A_11 to %scan3A_13 step %scan3A_14 iter_args(%scan3A_32 = %scan3A_10) -> (i32)  : i32 {
      %mul3A_33 = arith.constant 16 : i32
      %mul3A_34 = arith.muli %scan3A_31, %mul3A_33 : i32
      %swap3A = arith.index_cast %mul3A_34 : i32 to index
      %swap3A_35 = tpu.vector_load %arg5[%swap3A] {strides = array<i32>} : memref<128xf32, #tpu.memory_space<vmem>>, vector<16xf32>,
      %swap3A_36 = vector.shape_cast %swap3A_35 : vector<16xf32> to vector<16xf32>
      %swap3A_37 = vector.shape_cast %broadcast_in_dim3A_3 : vector<16xf32> to vector<16xf32>
      tpu.vector_store %arg5[%swap3A], %swap3A_37 {strides = array<i32>} : memref<128xf32, #tpu.memory_space<vmem>>, vector<16xf32>,
      %scan3A_38 = arith.constant 0 : i32
      scf.yield %scan3A_38 : i32
    }
    %scan3A_16 = arith.constant 8 : i32
    %mul3A_17 = arith.constant 640 : i32
    %mul3A_18 = arith.muli %arg1, %mul3A_17 : i32
    "tpu.region"() ({
      %run_scoped3A = tpu.sem_alloc : memref<!tpu.dma_semaphore, #tpu.memory_space<semaphore_mem>>
      %dma_start3A = tpu.memref_slice %arg7[%mul3A_18] : memref<10240xf32, #tpu.memory_space<vmem_shared>> -> memref<640xf32, #tpu.memory_space<vmem_shared>>
      %dma_start3A_31 = tpu.memref_slice %arg7[%mul3A_18] : memref<10240xf32, #tpu.memory_space<vmem_shared>> -> memref<640xf32, #tpu.memory_space<vmem_shared>>
      tpu.enqueue_dma source(%arg6 : memref<640xf32, #tpu.memory_space<vmem>>) target(%dma_start3A_31 : memref<640xf32, #tpu.memory_space<vmem_shared>>) target_semaphore(%run_scoped3A : memref<!tpu.dma_semaphore, #tpu.memory_space<semaphore_mem>>)
      %dma_wait3A = tpu.memref_slice %arg7[%mul3A_18] : memref<10240xf32, #tpu.memory_space<vmem_shared>> -> memref<640xf32, #tpu.memory_space<vmem_shared>>
      %dma_wait3A_32 = tpu.memref_slice %arg7[%mul3A_18] : memref<10240xf32, #tpu.memory_space<vmem_shared>> -> memref<640xf32, #tpu.memory_space<vmem_shared>>
      tpu.wait_dma2 semaphore(%run_scoped3A : memref<!tpu.dma_semaphore, #tpu.memory_space<semaphore_mem>>) src(%arg6 : memref<640xf32, #tpu.memory_space<vmem>>) dst(%dma_wait3A_32 : memref<640xf32, #tpu.memory_space<vmem_shared>>)
      tpu.yield
    }) : () -> ()
    "tpu.region"() ({
      %run_scoped3A = tpu.sem_alloc : memref<!tpu.dma_semaphore, #tpu.memory_space<semaphore_mem>>
      %dma_start3A = arith.constant 0 : i32
      %dma_start3A_31 = arith.constant 0 : i32
      %dma_start3A_32 = tpu.memref_slice %arg2[%add3A, %dma_start3A, %dma_start3A_31] : memref<32x79x128xi32, #tpu.memory_space<hbm>> -> memref<1x79x128xi32, #tpu.memory_space<hbm>>
      %dma_start3A_33 = tpu.memref_squeeze %dma_start3A_32 : memref<1x79x128xi32, #tpu.memory_space<hbm>> -> memref<79x128xi32, #tpu.memory_space<hbm>>
      %dma_start3A_34 = arith.constant 0 : i32
      %dma_start3A_35 = arith.constant 0 : i32
      %dma_start3A_36 = tpu.memref_slice %arg2[%add3A, %dma_start3A_34, %dma_start3A_35] : memref<32x79x128xi32, #tpu.memory_space<hbm>> -> memref<1x79x128xi32, #tpu.memory_space<hbm>>
      %dma_start3A_37 = tpu.memref_squeeze %dma_start3A_36 : memref<1x79x128xi32, #tpu.memory_space<hbm>> -> memref<79x128xi32, #tpu.memory_space<hbm>>
      tpu.enqueue_dma source(%dma_start3A_37 : memref<79x128xi32, #tpu.memory_space<hbm>>) target(%arg4 : memref<79x128xi32, #tpu.memory_space<vmem>>) target_semaphore(%run_scoped3A : memref<!tpu.dma_semaphore, #tpu.memory_space<semaphore_mem>>)
      %dma_wait3A = arith.constant 0 : i32
      %dma_wait3A_38 = arith.constant 0 : i32
      %dma_wait3A_39 = tpu.memref_slice %arg2[%add3A, %dma_wait3A, %dma_wait3A_38] : memref<32x79x128xi32, #tpu.memory_space<hbm>> -> memref<1x79x128xi32, #tpu.memory_space<hbm>>
      %dma_wait3A_40 = tpu.memref_squeeze %dma_wait3A_39 : memref<1x79x128xi32, #tpu.memory_space<hbm>> -> memref<79x128xi32, #tpu.memory_space<hbm>>
      %dma_wait3A_41 = arith.constant 0 : i32
      %dma_wait3A_42 = arith.constant 0 : i32
      %dma_wait3A_43 = tpu.memref_slice %arg2[%add3A, %dma_wait3A_41, %dma_wait3A_42] : memref<32x79x128xi32, #tpu.memory_space<hbm>> -> memref<1x79x128xi32, #tpu.memory_space<hbm>>
      %dma_wait3A_44 = tpu.memref_squeeze %dma_wait3A_43 : memref<1x79x128xi32, #tpu.memory_space<hbm>> -> memref<79x128xi32, #tpu.memory_space<hbm>>
      tpu.wait_dma2 semaphore(%run_scoped3A : memref<!tpu.dma_semaphore, #tpu.memory_space<semaphore_mem>>) src(%dma_wait3A_44 : memref<79x128xi32, #tpu.memory_space<hbm>>) dst(%arg4 : memref<79x128xi32, #tpu.memory_space<vmem>>)
      tpu.yield
    }) : () -> ()
    %barrier3A = arith.constant 0 : index
    tpu.barrier barrier_id(%barrier3A)
    %scan3A_19 = arith.constant 0 : i32
    %scan3A_20 = arith.constant 0 : i32
    %scan3A_21 = arith.constant 79 : i32
    %scan3A_22 = arith.addi %scan3A_20, %scan3A_21 : i32
    %scan3A_23 = arith.constant 1 : i32
    %scan3A_24 = scf.for %scan3A_31 = %scan3A_20 to %scan3A_22 step %scan3A_23 iter_args(%scan3A_32 = %scan3A_19) -> (i32)  : i32 {
      "tpu.region"() ({
        %run_scoped3A = tpu.sem_alloc : memref<!tpu.dma_semaphore, #tpu.memory_space<semaphore_mem>>
        %dma_start3A = arith.constant 0 : i32
        %dma_start3A_34 = tpu.memref_slice %arg4[%scan3A_31, %dma_start3A] : memref<79x128xi32, #tpu.memory_space<vmem>> -> memref<1x128xi32, #tpu.memory_space<vmem>>
        %dma_start3A_35 = tpu.memref_squeeze %dma_start3A_34 : memref<1x128xi32, #tpu.memory_space<vmem>> -> memref<128xi32, #tpu.memory_space<vmem>>
        %dma_start3A_36 = arith.constant 0 : i32
        %dma_start3A_37 = tpu.memref_slice %arg7[%dma_start3A_36] : memref<10240xf32, #tpu.memory_space<vmem_shared>> -> memref<10240xf32, #tpu.memory_space<vmem_shared>>
        tpu.enqueue_indirect_dma source(%arg5 : memref<128xf32, #tpu.memory_space<vmem>>) target(%dma_start3A_37 : memref<10240xf32, #tpu.memory_space<vmem_shared>>) offsets(%dma_start3A_35 : memref<128xi32, #tpu.memory_space<vmem>>) semaphore(%run_scoped3A : memref<!tpu.dma_semaphore, #tpu.memory_space<semaphore_mem>>) {add = true}
        %dma_wait3A = arith.constant 0 : i32
        %dma_wait3A_38 = tpu.memref_slice %arg4[%scan3A_31, %dma_wait3A] : memref<79x128xi32, #tpu.memory_space<vmem>> -> memref<1x128xi32, #tpu.memory_space<vmem>>
        %dma_wait3A_39 = tpu.memref_squeeze %dma_wait3A_38 : memref<1x128xi32, #tpu.memory_space<vmem>> -> memref<128xi32, #tpu.memory_space<vmem>>
        %dma_wait3A_40 = arith.constant 0 : i32
        %dma_wait3A_41 = tpu.memref_slice %arg7[%dma_wait3A_40] : memref<10240xf32, #tpu.memory_space<vmem_shared>> -> memref<10240xf32, #tpu.memory_space<vmem_shared>>
        tpu.wait_indirect_dma semaphore(%run_scoped3A : memref<!tpu.dma_semaphore, #tpu.memory_space<semaphore_mem>>) src(%arg5 : memref<128xf32, #tpu.memory_space<vmem>>) dst(%dma_wait3A_41 : memref<10240xf32, #tpu.memory_space<vmem_shared>>)
        tpu.yield
      }) : () -> ()
      %scan3A_33 = arith.constant 0 : i32
      scf.yield %scan3A_33 : i32
    }
    %scan3A_25 = arith.constant 79 : i32
    %barrier3A_26 = arith.constant 0 : index
    tpu.barrier barrier_id(%barrier3A_26)
    %mul3A_27 = arith.constant 640 : i32
    %mul3A_28 = arith.muli %arg1, %mul3A_27 : i32
    %mul3A_29 = arith.constant 640 : i32
    %mul3A_30 = arith.muli %arg1, %mul3A_29 : i32
    "tpu.region"() ({
      %run_scoped3A = tpu.sem_alloc : memref<!tpu.dma_semaphore, #tpu.memory_space<semaphore_mem>>
      %dma_start3A = tpu.memref_slice %arg3[%arg0, %mul3A_30] : memref<2x10240xf32, #tpu.memory_space<hbm>> -> memref<1x640xf32, #tpu.memory_space<hbm>>
      %dma_start3A_31 = tpu.memref_squeeze %dma_start3A : memref<1x640xf32, #tpu.memory_space<hbm>> -> memref<640xf32, #tpu.memory_space<hbm>>
      %dma_start3A_32 = tpu.memref_slice %arg7[%mul3A_28] : memref<10240xf32, #tpu.memory_space<vmem_shared>> -> memref<640xf32, #tpu.memory_space<vmem_shared>>
      tpu.enqueue_dma source(%dma_start3A_32 : memref<640xf32, #tpu.memory_space<vmem_shared>>) target(%dma_start3A_31 : memref<640xf32, #tpu.memory_space<hbm>>) target_semaphore(%run_scoped3A : memref<!tpu.dma_semaphore, #tpu.memory_space<semaphore_mem>>)
      %dma_wait3A = tpu.memref_slice %arg3[%arg0, %mul3A_30] : memref<2x10240xf32, #tpu.memory_space<hbm>> -> memref<1x640xf32, #tpu.memory_space<hbm>>
      %dma_wait3A_33 = tpu.memref_squeeze %dma_wait3A : memref<1x640xf32, #tpu.memory_space<hbm>> -> memref<640xf32, #tpu.memory_space<hbm>>
      %dma_wait3A_34 = tpu.memref_slice %arg7[%mul3A_28] : memref<10240xf32, #tpu.memory_space<vmem_shared>> -> memref<640xf32, #tpu.memory_space<vmem_shared>>
      tpu.wait_dma2 semaphore(%run_scoped3A : memref<!tpu.dma_semaphore, #tpu.memory_space<semaphore_mem>>) src(%dma_wait3A_34 : memref<640xf32, #tpu.memory_space<vmem_shared>>) dst(%dma_wait3A_33 : memref<640xf32, #tpu.memory_space<hbm>>)
      tpu.yield
    }) : () -> ()
    return
  }
}

#map = affine_map<(d0, d1) -> (0, 0)>
#map1 = affine_map<(d0, d1) -> (0, 0, 0)>
module attributes {stable_mosaic.version = 14 : i64} {
  func.func @_msg_kernel(%arg0: i32, %arg1: i32, %arg2: memref<10000x128xf32, #tpu.memory_space<hbm>>, %arg3: memref<32x79x128xi32, #tpu.memory_space<hbm>>, %arg4: memref<32x79x128xi32, #tpu.memory_space<hbm>>, %arg5: memref<2x10240x128xf32, #tpu.memory_space<hbm>>, %arg6: memref<79x128xi32, #tpu.memory_space<vmem>>, %arg7: memref<79x128xi32, #tpu.memory_space<vmem>>, %arg8: memref<128x128xf32, #tpu.memory_space<vmem>>, %arg9: memref<10240x128xf32, #tpu.memory_space<vmem_shared>>, %arg10: memref<!tpu.dma_semaphore, #tpu.memory_space<semaphore_mem>>) attributes {dimension_semantics = [#tpu.dimension_semantics<core_parallel>, #tpu.dimension_semantics<subcore_parallel>], iteration_bounds = array<i64: 2, 16>, scalar_prefetch = 0 : i64, scratch_operands = 5 : i64, tpu.core_type = #tpu.core_type<sc_vector_subcore>, window_params = [{transform_indices = #map}, {transform_indices = #map1}, {transform_indices = #map1}, {transform_indices = #map1}]} {
    %mul3A = arith.constant 2 : i32
    %mul3A_0 = arith.muli %arg1, %mul3A : i32
    %add3A = arith.addi %mul3A_0, %arg0 : i32
    %broadcast_in_dim3A = arith.constant 0.000000e+00 : f32
    %broadcast_in_dim3A_1 = vector.broadcast %broadcast_in_dim3A : f32 to vector<16xf32>
    %scan3A = arith.constant 0 : i32
    %scan3A_2 = arith.constant 0 : i32
    %scan3A_3 = arith.constant 128 : i32
    %scan3A_4 = arith.addi %scan3A_2, %scan3A_3 : i32
    %scan3A_5 = arith.constant 1 : i32
    %scan3A_6 = scf.for %scan3A_56 = %scan3A_2 to %scan3A_4 step %scan3A_5 iter_args(%scan3A_57 = %scan3A) -> (i32)  : i32 {
      %swap3A = arith.index_cast %scan3A_56 : i32 to index
      %swap3A_58 = arith.constant 0 : index
      %swap3A_59 = tpu.vector_load %arg8[%swap3A, %swap3A_58] {strides = array<i32>} : memref<128x128xf32, #tpu.memory_space<vmem>>, vector<1x16xf32>,
      %swap3A_60 = vector.shape_cast %swap3A_59 : vector<1x16xf32> to vector<16xf32>
      %swap3A_61 = vector.shape_cast %broadcast_in_dim3A_1 : vector<16xf32> to vector<1x16xf32>
      tpu.vector_store %arg8[%swap3A, %swap3A_58], %swap3A_61 {strides = array<i32>} : memref<128x128xf32, #tpu.memory_space<vmem>>, vector<1x16xf32>,
      %swap3A_62 = arith.index_cast %scan3A_56 : i32 to index
      %swap3A_63 = arith.constant 16 : index
      %swap3A_64 = tpu.vector_load %arg8[%swap3A_62, %swap3A_63] {strides = array<i32>} : memref<128x128xf32, #tpu.memory_space<vmem>>, vector<1x16xf32>,
      %swap3A_65 = vector.shape_cast %swap3A_64 : vector<1x16xf32> to vector<16xf32>
      %swap3A_66 = vector.shape_cast %broadcast_in_dim3A_1 : vector<16xf32> to vector<1x16xf32>
      tpu.vector_store %arg8[%swap3A_62, %swap3A_63], %swap3A_66 {strides = array<i32>} : memref<128x128xf32, #tpu.memory_space<vmem>>, vector<1x16xf32>,
      %swap3A_67 = arith.index_cast %scan3A_56 : i32 to index
      %swap3A_68 = arith.constant 32 : index
      %swap3A_69 = tpu.vector_load %arg8[%swap3A_67, %swap3A_68] {strides = array<i32>} : memref<128x128xf32, #tpu.memory_space<vmem>>, vector<1x16xf32>,
      %swap3A_70 = vector.shape_cast %swap3A_69 : vector<1x16xf32> to vector<16xf32>
      %swap3A_71 = vector.shape_cast %broadcast_in_dim3A_1 : vector<16xf32> to vector<1x16xf32>
      tpu.vector_store %arg8[%swap3A_67, %swap3A_68], %swap3A_71 {strides = array<i32>} : memref<128x128xf32, #tpu.memory_space<vmem>>, vector<1x16xf32>,
      %swap3A_72 = arith.index_cast %scan3A_56 : i32 to index
      %swap3A_73 = arith.constant 48 : index
      %swap3A_74 = tpu.vector_load %arg8[%swap3A_72, %swap3A_73] {strides = array<i32>} : memref<128x128xf32, #tpu.memory_space<vmem>>, vector<1x16xf32>,
      %swap3A_75 = vector.shape_cast %swap3A_74 : vector<1x16xf32> to vector<16xf32>
      %swap3A_76 = vector.shape_cast %broadcast_in_dim3A_1 : vector<16xf32> to vector<1x16xf32>
      tpu.vector_store %arg8[%swap3A_72, %swap3A_73], %swap3A_76 {strides = array<i32>} : memref<128x128xf32, #tpu.memory_space<vmem>>, vector<1x16xf32>,
      %swap3A_77 = arith.index_cast %scan3A_56 : i32 to index
      %swap3A_78 = arith.constant 64 : index
      %swap3A_79 = tpu.vector_load %arg8[%swap3A_77, %swap3A_78] {strides = array<i32>} : memref<128x128xf32, #tpu.memory_space<vmem>>, vector<1x16xf32>,
      %swap3A_80 = vector.shape_cast %swap3A_79 : vector<1x16xf32> to vector<16xf32>
      %swap3A_81 = vector.shape_cast %broadcast_in_dim3A_1 : vector<16xf32> to vector<1x16xf32>
      tpu.vector_store %arg8[%swap3A_77, %swap3A_78], %swap3A_81 {strides = array<i32>} : memref<128x128xf32, #tpu.memory_space<vmem>>, vector<1x16xf32>,
      %swap3A_82 = arith.index_cast %scan3A_56 : i32 to index
      %swap3A_83 = arith.constant 80 : index
      %swap3A_84 = tpu.vector_load %arg8[%swap3A_82, %swap3A_83] {strides = array<i32>} : memref<128x128xf32, #tpu.memory_space<vmem>>, vector<1x16xf32>,
      %swap3A_85 = vector.shape_cast %swap3A_84 : vector<1x16xf32> to vector<16xf32>
      %swap3A_86 = vector.shape_cast %broadcast_in_dim3A_1 : vector<16xf32> to vector<1x16xf32>
      tpu.vector_store %arg8[%swap3A_82, %swap3A_83], %swap3A_86 {strides = array<i32>} : memref<128x128xf32, #tpu.memory_space<vmem>>, vector<1x16xf32>,
      %swap3A_87 = arith.index_cast %scan3A_56 : i32 to index
      %swap3A_88 = arith.constant 96 : index
      %swap3A_89 = tpu.vector_load %arg8[%swap3A_87, %swap3A_88] {strides = array<i32>} : memref<128x128xf32, #tpu.memory_space<vmem>>, vector<1x16xf32>,
      %swap3A_90 = vector.shape_cast %swap3A_89 : vector<1x16xf32> to vector<16xf32>
      %swap3A_91 = vector.shape_cast %broadcast_in_dim3A_1 : vector<16xf32> to vector<1x16xf32>
      tpu.vector_store %arg8[%swap3A_87, %swap3A_88], %swap3A_91 {strides = array<i32>} : memref<128x128xf32, #tpu.memory_space<vmem>>, vector<1x16xf32>,
      %swap3A_92 = arith.index_cast %scan3A_56 : i32 to index
      %swap3A_93 = arith.constant 112 : index
      %swap3A_94 = tpu.vector_load %arg8[%swap3A_92, %swap3A_93] {strides = array<i32>} : memref<128x128xf32, #tpu.memory_space<vmem>>, vector<1x16xf32>,
      %swap3A_95 = vector.shape_cast %swap3A_94 : vector<1x16xf32> to vector<16xf32>
      %swap3A_96 = vector.shape_cast %broadcast_in_dim3A_1 : vector<16xf32> to vector<1x16xf32>
      tpu.vector_store %arg8[%swap3A_92, %swap3A_93], %swap3A_96 {strides = array<i32>} : memref<128x128xf32, #tpu.memory_space<vmem>>, vector<1x16xf32>,
      %scan3A_97 = arith.constant 0 : i32
      scf.yield %scan3A_97 : i32
    }
    %scan3A_7 = arith.constant 128 : i32
    %mul3A_8 = arith.constant 640 : i32
    %mul3A_9 = arith.muli %arg1, %mul3A_8 : i32
    %add3A_10 = arith.constant 0 : i32
    %add3A_11 = arith.addi %mul3A_9, %add3A_10 : i32
    "tpu.region"() ({
      %run_scoped3A = tpu.sem_alloc : memref<!tpu.dma_semaphore, #tpu.memory_space<semaphore_mem>>
      %dma_start3A = arith.constant 0 : i32
      %dma_start3A_56 = tpu.memref_slice %arg9[%add3A_11, %dma_start3A] : memref<10240x128xf32, #tpu.memory_space<vmem_shared>> -> memref<128x128xf32, #tpu.memory_space<vmem_shared>>
      %dma_start3A_57 = arith.constant 0 : i32
      %dma_start3A_58 = tpu.memref_slice %arg9[%add3A_11, %dma_start3A_57] : memref<10240x128xf32, #tpu.memory_space<vmem_shared>> -> memref<128x128xf32, #tpu.memory_space<vmem_shared>>
      tpu.enqueue_dma source(%arg8 : memref<128x128xf32, #tpu.memory_space<vmem>>) target(%dma_start3A_58 : memref<128x128xf32, #tpu.memory_space<vmem_shared>>) target_semaphore(%run_scoped3A : memref<!tpu.dma_semaphore, #tpu.memory_space<semaphore_mem>>)
      %dma_wait3A = arith.constant 0 : i32
      %dma_wait3A_59 = tpu.memref_slice %arg9[%add3A_11, %dma_wait3A] : memref<10240x128xf32, #tpu.memory_space<vmem_shared>> -> memref<128x128xf32, #tpu.memory_space<vmem_shared>>
      %dma_wait3A_60 = arith.constant 0 : i32
      %dma_wait3A_61 = tpu.memref_slice %arg9[%add3A_11, %dma_wait3A_60] : memref<10240x128xf32, #tpu.memory_space<vmem_shared>> -> memref<128x128xf32, #tpu.memory_space<vmem_shared>>
      tpu.wait_dma2 semaphore(%run_scoped3A : memref<!tpu.dma_semaphore, #tpu.memory_space<semaphore_mem>>) src(%arg8 : memref<128x128xf32, #tpu.memory_space<vmem>>) dst(%dma_wait3A_61 : memref<128x128xf32, #tpu.memory_space<vmem_shared>>)
      tpu.yield
    }) : () -> ()
    %mul3A_12 = arith.constant 640 : i32
    %mul3A_13 = arith.muli %arg1, %mul3A_12 : i32
    %add3A_14 = arith.constant 128 : i32
    %add3A_15 = arith.addi %mul3A_13, %add3A_14 : i32
    "tpu.region"() ({
      %run_scoped3A = tpu.sem_alloc : memref<!tpu.dma_semaphore, #tpu.memory_space<semaphore_mem>>
      %dma_start3A = arith.constant 0 : i32
      %dma_start3A_56 = tpu.memref_slice %arg9[%add3A_15, %dma_start3A] : memref<10240x128xf32, #tpu.memory_space<vmem_shared>> -> memref<128x128xf32, #tpu.memory_space<vmem_shared>>
      %dma_start3A_57 = arith.constant 0 : i32
      %dma_start3A_58 = tpu.memref_slice %arg9[%add3A_15, %dma_start3A_57] : memref<10240x128xf32, #tpu.memory_space<vmem_shared>> -> memref<128x128xf32, #tpu.memory_space<vmem_shared>>
      tpu.enqueue_dma source(%arg8 : memref<128x128xf32, #tpu.memory_space<vmem>>) target(%dma_start3A_58 : memref<128x128xf32, #tpu.memory_space<vmem_shared>>) target_semaphore(%run_scoped3A : memref<!tpu.dma_semaphore, #tpu.memory_space<semaphore_mem>>)
      %dma_wait3A = arith.constant 0 : i32
      %dma_wait3A_59 = tpu.memref_slice %arg9[%add3A_15, %dma_wait3A] : memref<10240x128xf32, #tpu.memory_space<vmem_shared>> -> memref<128x128xf32, #tpu.memory_space<vmem_shared>>
      %dma_wait3A_60 = arith.constant 0 : i32
      %dma_wait3A_61 = tpu.memref_slice %arg9[%add3A_15, %dma_wait3A_60] : memref<10240x128xf32, #tpu.memory_space<vmem_shared>> -> memref<128x128xf32, #tpu.memory_space<vmem_shared>>
      tpu.wait_dma2 semaphore(%run_scoped3A : memref<!tpu.dma_semaphore, #tpu.memory_space<semaphore_mem>>) src(%arg8 : memref<128x128xf32, #tpu.memory_space<vmem>>) dst(%dma_wait3A_61 : memref<128x128xf32, #tpu.memory_space<vmem_shared>>)
      tpu.yield
    }) : () -> ()
    %mul3A_16 = arith.constant 640 : i32
    %mul3A_17 = arith.muli %arg1, %mul3A_16 : i32
    %add3A_18 = arith.constant 256 : i32
    %add3A_19 = arith.addi %mul3A_17, %add3A_18 : i32
    "tpu.region"() ({
      %run_scoped3A = tpu.sem_alloc : memref<!tpu.dma_semaphore, #tpu.memory_space<semaphore_mem>>
      %dma_start3A = arith.constant 0 : i32
      %dma_start3A_56 = tpu.memref_slice %arg9[%add3A_19, %dma_start3A] : memref<10240x128xf32, #tpu.memory_space<vmem_shared>> -> memref<128x128xf32, #tpu.memory_space<vmem_shared>>
      %dma_start3A_57 = arith.constant 0 : i32
      %dma_start3A_58 = tpu.memref_slice %arg9[%add3A_19, %dma_start3A_57] : memref<10240x128xf32, #tpu.memory_space<vmem_shared>> -> memref<128x128xf32, #tpu.memory_space<vmem_shared>>
      tpu.enqueue_dma source(%arg8 : memref<128x128xf32, #tpu.memory_space<vmem>>) target(%dma_start3A_58 : memref<128x128xf32, #tpu.memory_space<vmem_shared>>) target_semaphore(%run_scoped3A : memref<!tpu.dma_semaphore, #tpu.memory_space<semaphore_mem>>)
      %dma_wait3A = arith.constant 0 : i32
      %dma_wait3A_59 = tpu.memref_slice %arg9[%add3A_19, %dma_wait3A] : memref<10240x128xf32, #tpu.memory_space<vmem_shared>> -> memref<128x128xf32, #tpu.memory_space<vmem_shared>>
      %dma_wait3A_60 = arith.constant 0 : i32
      %dma_wait3A_61 = tpu.memref_slice %arg9[%add3A_19, %dma_wait3A_60] : memref<10240x128xf32, #tpu.memory_space<vmem_shared>> -> memref<128x128xf32, #tpu.memory_space<vmem_shared>>
      tpu.wait_dma2 semaphore(%run_scoped3A : memref<!tpu.dma_semaphore, #tpu.memory_space<semaphore_mem>>) src(%arg8 : memref<128x128xf32, #tpu.memory_space<vmem>>) dst(%dma_wait3A_61 : memref<128x128xf32, #tpu.memory_space<vmem_shared>>)
      tpu.yield
    }) : () -> ()
    %mul3A_20 = arith.constant 640 : i32
    %mul3A_21 = arith.muli %arg1, %mul3A_20 : i32
    %add3A_22 = arith.constant 384 : i32
    %add3A_23 = arith.addi %mul3A_21, %add3A_22 : i32
    "tpu.region"() ({
      %run_scoped3A = tpu.sem_alloc : memref<!tpu.dma_semaphore, #tpu.memory_space<semaphore_mem>>
      %dma_start3A = arith.constant 0 : i32
      %dma_start3A_56 = tpu.memref_slice %arg9[%add3A_23, %dma_start3A] : memref<10240x128xf32, #tpu.memory_space<vmem_shared>> -> memref<128x128xf32, #tpu.memory_space<vmem_shared>>
      %dma_start3A_57 = arith.constant 0 : i32
      %dma_start3A_58 = tpu.memref_slice %arg9[%add3A_23, %dma_start3A_57] : memref<10240x128xf32, #tpu.memory_space<vmem_shared>> -> memref<128x128xf32, #tpu.memory_space<vmem_shared>>
      tpu.enqueue_dma source(%arg8 : memref<128x128xf32, #tpu.memory_space<vmem>>) target(%dma_start3A_58 : memref<128x128xf32, #tpu.memory_space<vmem_shared>>) target_semaphore(%run_scoped3A : memref<!tpu.dma_semaphore, #tpu.memory_space<semaphore_mem>>)
      %dma_wait3A = arith.constant 0 : i32
      %dma_wait3A_59 = tpu.memref_slice %arg9[%add3A_23, %dma_wait3A] : memref<10240x128xf32, #tpu.memory_space<vmem_shared>> -> memref<128x128xf32, #tpu.memory_space<vmem_shared>>
      %dma_wait3A_60 = arith.constant 0 : i32
      %dma_wait3A_61 = tpu.memref_slice %arg9[%add3A_23, %dma_wait3A_60] : memref<10240x128xf32, #tpu.memory_space<vmem_shared>> -> memref<128x128xf32, #tpu.memory_space<vmem_shared>>
      tpu.wait_dma2 semaphore(%run_scoped3A : memref<!tpu.dma_semaphore, #tpu.memory_space<semaphore_mem>>) src(%arg8 : memref<128x128xf32, #tpu.memory_space<vmem>>) dst(%dma_wait3A_61 : memref<128x128xf32, #tpu.memory_space<vmem_shared>>)
      tpu.yield
    }) : () -> ()
    %mul3A_24 = arith.constant 640 : i32
    %mul3A_25 = arith.muli %arg1, %mul3A_24 : i32
    %add3A_26 = arith.constant 512 : i32
    %add3A_27 = arith.addi %mul3A_25, %add3A_26 : i32
    "tpu.region"() ({
      %run_scoped3A = tpu.sem_alloc : memref<!tpu.dma_semaphore, #tpu.memory_space<semaphore_mem>>
      %dma_start3A = arith.constant 0 : i32
      %dma_start3A_56 = tpu.memref_slice %arg9[%add3A_27, %dma_start3A] : memref<10240x128xf32, #tpu.memory_space<vmem_shared>> -> memref<128x128xf32, #tpu.memory_space<vmem_shared>>
      %dma_start3A_57 = arith.constant 0 : i32
      %dma_start3A_58 = tpu.memref_slice %arg9[%add3A_27, %dma_start3A_57] : memref<10240x128xf32, #tpu.memory_space<vmem_shared>> -> memref<128x128xf32, #tpu.memory_space<vmem_shared>>
      tpu.enqueue_dma source(%arg8 : memref<128x128xf32, #tpu.memory_space<vmem>>) target(%dma_start3A_58 : memref<128x128xf32, #tpu.memory_space<vmem_shared>>) target_semaphore(%run_scoped3A : memref<!tpu.dma_semaphore, #tpu.memory_space<semaphore_mem>>)
      %dma_wait3A = arith.constant 0 : i32
      %dma_wait3A_59 = tpu.memref_slice %arg9[%add3A_27, %dma_wait3A] : memref<10240x128xf32, #tpu.memory_space<vmem_shared>> -> memref<128x128xf32, #tpu.memory_space<vmem_shared>>
      %dma_wait3A_60 = arith.constant 0 : i32
      %dma_wait3A_61 = tpu.memref_slice %arg9[%add3A_27, %dma_wait3A_60] : memref<10240x128xf32, #tpu.memory_space<vmem_shared>> -> memref<128x128xf32, #tpu.memory_space<vmem_shared>>
      tpu.wait_dma2 semaphore(%run_scoped3A : memref<!tpu.dma_semaphore, #tpu.memory_space<semaphore_mem>>) src(%arg8 : memref<128x128xf32, #tpu.memory_space<vmem>>) dst(%dma_wait3A_61 : memref<128x128xf32, #tpu.memory_space<vmem_shared>>)
      tpu.yield
    }) : () -> ()
    "tpu.region"() ({
      %run_scoped3A = tpu.sem_alloc : memref<!tpu.dma_semaphore, #tpu.memory_space<semaphore_mem>>
      %dma_start3A = arith.constant 0 : i32
      %dma_start3A_56 = arith.constant 0 : i32
      %dma_start3A_57 = tpu.memref_slice %arg3[%add3A, %dma_start3A, %dma_start3A_56] : memref<32x79x128xi32, #tpu.memory_space<hbm>> -> memref<1x79x128xi32, #tpu.memory_space<hbm>>
      %dma_start3A_58 = tpu.memref_squeeze %dma_start3A_57 : memref<1x79x128xi32, #tpu.memory_space<hbm>> -> memref<79x128xi32, #tpu.memory_space<hbm>>
      %dma_start3A_59 = arith.constant 0 : i32
      %dma_start3A_60 = arith.constant 0 : i32
      %dma_start3A_61 = tpu.memref_slice %arg3[%add3A, %dma_start3A_59, %dma_start3A_60] : memref<32x79x128xi32, #tpu.memory_space<hbm>> -> memref<1x79x128xi32, #tpu.memory_space<hbm>>
      %dma_start3A_62 = tpu.memref_squeeze %dma_start3A_61 : memref<1x79x128xi32, #tpu.memory_space<hbm>> -> memref<79x128xi32, #tpu.memory_space<hbm>>
      tpu.enqueue_dma source(%dma_start3A_62 : memref<79x128xi32, #tpu.memory_space<hbm>>) target(%arg6 : memref<79x128xi32, #tpu.memory_space<vmem>>) target_semaphore(%run_scoped3A : memref<!tpu.dma_semaphore, #tpu.memory_space<semaphore_mem>>)
      %dma_wait3A = arith.constant 0 : i32
      %dma_wait3A_63 = arith.constant 0 : i32
      %dma_wait3A_64 = tpu.memref_slice %arg3[%add3A, %dma_wait3A, %dma_wait3A_63] : memref<32x79x128xi32, #tpu.memory_space<hbm>> -> memref<1x79x128xi32, #tpu.memory_space<hbm>>
      %dma_wait3A_65 = tpu.memref_squeeze %dma_wait3A_64 : memref<1x79x128xi32, #tpu.memory_space<hbm>> -> memref<79x128xi32, #tpu.memory_space<hbm>>
      %dma_wait3A_66 = arith.constant 0 : i32
      %dma_wait3A_67 = arith.constant 0 : i32
      %dma_wait3A_68 = tpu.memref_slice %arg3[%add3A, %dma_wait3A_66, %dma_wait3A_67] : memref<32x79x128xi32, #tpu.memory_space<hbm>> -> memref<1x79x128xi32, #tpu.memory_space<hbm>>
      %dma_wait3A_69 = tpu.memref_squeeze %dma_wait3A_68 : memref<1x79x128xi32, #tpu.memory_space<hbm>> -> memref<79x128xi32, #tpu.memory_space<hbm>>
      tpu.wait_dma2 semaphore(%run_scoped3A : memref<!tpu.dma_semaphore, #tpu.memory_space<semaphore_mem>>) src(%dma_wait3A_69 : memref<79x128xi32, #tpu.memory_space<hbm>>) dst(%arg6 : memref<79x128xi32, #tpu.memory_space<vmem>>)
      tpu.yield
    }) : () -> ()
    "tpu.region"() ({
      %run_scoped3A = tpu.sem_alloc : memref<!tpu.dma_semaphore, #tpu.memory_space<semaphore_mem>>
      %dma_start3A = arith.constant 0 : i32
      %dma_start3A_56 = arith.constant 0 : i32
      %dma_start3A_57 = tpu.memref_slice %arg4[%add3A, %dma_start3A, %dma_start3A_56] : memref<32x79x128xi32, #tpu.memory_space<hbm>> -> memref<1x79x128xi32, #tpu.memory_space<hbm>>
      %dma_start3A_58 = tpu.memref_squeeze %dma_start3A_57 : memref<1x79x128xi32, #tpu.memory_space<hbm>> -> memref<79x128xi32, #tpu.memory_space<hbm>>
      %dma_start3A_59 = arith.constant 0 : i32
      %dma_start3A_60 = arith.constant 0 : i32
      %dma_start3A_61 = tpu.memref_slice %arg4[%add3A, %dma_start3A_59, %dma_start3A_60] : memref<32x79x128xi32, #tpu.memory_space<hbm>> -> memref<1x79x128xi32, #tpu.memory_space<hbm>>
      %dma_start3A_62 = tpu.memref_squeeze %dma_start3A_61 : memref<1x79x128xi32, #tpu.memory_space<hbm>> -> memref<79x128xi32, #tpu.memory_space<hbm>>
      tpu.enqueue_dma source(%dma_start3A_62 : memref<79x128xi32, #tpu.memory_space<hbm>>) target(%arg7 : memref<79x128xi32, #tpu.memory_space<vmem>>) target_semaphore(%run_scoped3A : memref<!tpu.dma_semaphore, #tpu.memory_space<semaphore_mem>>)
      %dma_wait3A = arith.constant 0 : i32
      %dma_wait3A_63 = arith.constant 0 : i32
      %dma_wait3A_64 = tpu.memref_slice %arg4[%add3A, %dma_wait3A, %dma_wait3A_63] : memref<32x79x128xi32, #tpu.memory_space<hbm>> -> memref<1x79x128xi32, #tpu.memory_space<hbm>>
      %dma_wait3A_65 = tpu.memref_squeeze %dma_wait3A_64 : memref<1x79x128xi32, #tpu.memory_space<hbm>> -> memref<79x128xi32, #tpu.memory_space<hbm>>
      %dma_wait3A_66 = arith.constant 0 : i32
      %dma_wait3A_67 = arith.constant 0 : i32
      %dma_wait3A_68 = tpu.memref_slice %arg4[%add3A, %dma_wait3A_66, %dma_wait3A_67] : memref<32x79x128xi32, #tpu.memory_space<hbm>> -> memref<1x79x128xi32, #tpu.memory_space<hbm>>
      %dma_wait3A_69 = tpu.memref_squeeze %dma_wait3A_68 : memref<1x79x128xi32, #tpu.memory_space<hbm>> -> memref<79x128xi32, #tpu.memory_space<hbm>>
      tpu.wait_dma2 semaphore(%run_scoped3A : memref<!tpu.dma_semaphore, #tpu.memory_space<semaphore_mem>>) src(%dma_wait3A_69 : memref<79x128xi32, #tpu.memory_space<hbm>>) dst(%arg7 : memref<79x128xi32, #tpu.memory_space<vmem>>)
      tpu.yield
    }) : () -> ()
    %barrier3A = arith.constant 0 : index
    tpu.barrier barrier_id(%barrier3A)
    %scan3A_28 = arith.constant 0 : i32
    %scan3A_29 = arith.constant 0 : i32
    %scan3A_30 = arith.constant 79 : i32
    %scan3A_31 = arith.addi %scan3A_29, %scan3A_30 : i32
    %scan3A_32 = arith.constant 1 : i32
    %scan3A_33 = scf.for %scan3A_56 = %scan3A_29 to %scan3A_31 step %scan3A_32 iter_args(%scan3A_57 = %scan3A_28) -> (i32)  : i32 {
      %dma_start3A = arith.constant 0 : i32
      %dma_start3A_58 = tpu.memref_slice %arg6[%scan3A_56, %dma_start3A] : memref<79x128xi32, #tpu.memory_space<vmem>> -> memref<1x128xi32, #tpu.memory_space<vmem>>
      %dma_start3A_59 = tpu.memref_squeeze %dma_start3A_58 : memref<1x128xi32, #tpu.memory_space<vmem>> -> memref<128xi32, #tpu.memory_space<vmem>>
      %dma_start3A_60 = arith.constant 0 : i32
      %dma_start3A_61 = arith.constant 0 : i32
      %dma_start3A_62 = tpu.memref_slice %arg2[%dma_start3A_60, %dma_start3A_61] : memref<10000x128xf32, #tpu.memory_space<hbm>> -> memref<10000x128xf32, #tpu.memory_space<hbm>>
      tpu.enqueue_indirect_dma source(%dma_start3A_62 : memref<10000x128xf32, #tpu.memory_space<hbm>>) target(%arg8 : memref<128x128xf32, #tpu.memory_space<vmem>>) offsets(%dma_start3A_59 : memref<128xi32, #tpu.memory_space<vmem>>) semaphore(%arg10 : memref<!tpu.dma_semaphore, #tpu.memory_space<semaphore_mem>>)
      %dma_wait3A = arith.constant 0 : i32
      %dma_wait3A_63 = tpu.memref_slice %arg6[%scan3A_56, %dma_wait3A] : memref<79x128xi32, #tpu.memory_space<vmem>> -> memref<1x128xi32, #tpu.memory_space<vmem>>
      %dma_wait3A_64 = tpu.memref_squeeze %dma_wait3A_63 : memref<1x128xi32, #tpu.memory_space<vmem>> -> memref<128xi32, #tpu.memory_space<vmem>>
      %dma_wait3A_65 = arith.constant 0 : i32
      %dma_wait3A_66 = arith.constant 0 : i32
      %dma_wait3A_67 = tpu.memref_slice %arg2[%dma_wait3A_65, %dma_wait3A_66] : memref<10000x128xf32, #tpu.memory_space<hbm>> -> memref<10000x128xf32, #tpu.memory_space<hbm>>
      tpu.wait_indirect_dma semaphore(%arg10 : memref<!tpu.dma_semaphore, #tpu.memory_space<semaphore_mem>>) src(%dma_wait3A_67 : memref<10000x128xf32, #tpu.memory_space<hbm>>) dst(%arg8 : memref<128x128xf32, #tpu.memory_space<vmem>>)
      "tpu.region"() ({
        %run_scoped3A = tpu.sem_alloc : memref<!tpu.dma_semaphore, #tpu.memory_space<semaphore_mem>>
        %dma_start3A_69 = arith.constant 0 : i32
        %dma_start3A_70 = tpu.memref_slice %arg7[%scan3A_56, %dma_start3A_69] : memref<79x128xi32, #tpu.memory_space<vmem>> -> memref<1x128xi32, #tpu.memory_space<vmem>>
        %dma_start3A_71 = tpu.memref_squeeze %dma_start3A_70 : memref<1x128xi32, #tpu.memory_space<vmem>> -> memref<128xi32, #tpu.memory_space<vmem>>
        %dma_start3A_72 = arith.constant 0 : i32
        %dma_start3A_73 = arith.constant 0 : i32
        %dma_start3A_74 = tpu.memref_slice %arg9[%dma_start3A_72, %dma_start3A_73] : memref<10240x128xf32, #tpu.memory_space<vmem_shared>> -> memref<10240x128xf32, #tpu.memory_space<vmem_shared>>
        tpu.enqueue_indirect_dma source(%arg8 : memref<128x128xf32, #tpu.memory_space<vmem>>) target(%dma_start3A_74 : memref<10240x128xf32, #tpu.memory_space<vmem_shared>>) offsets(%dma_start3A_71 : memref<128xi32, #tpu.memory_space<vmem>>) semaphore(%run_scoped3A : memref<!tpu.dma_semaphore, #tpu.memory_space<semaphore_mem>>) {add = true}
        %dma_wait3A_75 = arith.constant 0 : i32
        %dma_wait3A_76 = tpu.memref_slice %arg7[%scan3A_56, %dma_wait3A_75] : memref<79x128xi32, #tpu.memory_space<vmem>> -> memref<1x128xi32, #tpu.memory_space<vmem>>
        %dma_wait3A_77 = tpu.memref_squeeze %dma_wait3A_76 : memref<1x128xi32, #tpu.memory_space<vmem>> -> memref<128xi32, #tpu.memory_space<vmem>>
        %dma_wait3A_78 = arith.constant 0 : i32
        %dma_wait3A_79 = arith.constant 0 : i32
        %dma_wait3A_80 = tpu.memref_slice %arg9[%dma_wait3A_78, %dma_wait3A_79] : memref<10240x128xf32, #tpu.memory_space<vmem_shared>> -> memref<10240x128xf32, #tpu.memory_space<vmem_shared>>
        tpu.wait_indirect_dma semaphore(%run_scoped3A : memref<!tpu.dma_semaphore, #tpu.memory_space<semaphore_mem>>) src(%arg8 : memref<128x128xf32, #tpu.memory_space<vmem>>) dst(%dma_wait3A_80 : memref<10240x128xf32, #tpu.memory_space<vmem_shared>>)
        tpu.yield
      }) : () -> ()
      %scan3A_68 = arith.constant 0 : i32
      scf.yield %scan3A_68 : i32
    }
    %scan3A_34 = arith.constant 79 : i32
    %barrier3A_35 = arith.constant 0 : index
    tpu.barrier barrier_id(%barrier3A_35)
    %mul3A_36 = arith.constant 640 : i32
    %mul3A_37 = arith.muli %arg1, %mul3A_36 : i32
    %add3A_38 = arith.constant 0 : i32
    %add3A_39 = arith.addi %mul3A_37, %add3A_38 : i32
    "tpu.region"() ({
      %run_scoped3A = tpu.sem_alloc : memref<!tpu.dma_semaphore, #tpu.memory_space<semaphore_mem>>
      %dma_start3A = arith.constant 0 : i32
      %dma_start3A_56 = tpu.memref_slice %arg5[%arg0, %add3A_39, %dma_start3A] : memref<2x10240x128xf32, #tpu.memory_space<hbm>> -> memref<1x128x128xf32, #tpu.memory_space<hbm>>
      %dma_start3A_57 = tpu.memref_squeeze %dma_start3A_56 : memref<1x128x128xf32, #tpu.memory_space<hbm>> -> memref<128x128xf32, #tpu.memory_space<hbm>>
      %dma_start3A_58 = arith.constant 0 : i32
      %dma_start3A_59 = tpu.memref_slice %arg9[%add3A_39, %dma_start3A_58] : memref<10240x128xf32, #tpu.memory_space<vmem_shared>> -> memref<128x128xf32, #tpu.memory_space<vmem_shared>>
      tpu.enqueue_dma source(%dma_start3A_59 : memref<128x128xf32, #tpu.memory_space<vmem_shared>>) target(%dma_start3A_57 : memref<128x128xf32, #tpu.memory_space<hbm>>) target_semaphore(%run_scoped3A : memref<!tpu.dma_semaphore, #tpu.memory_space<semaphore_mem>>)
      %dma_wait3A = arith.constant 0 : i32
      %dma_wait3A_60 = tpu.memref_slice %arg5[%arg0, %add3A_39, %dma_wait3A] : memref<2x10240x128xf32, #tpu.memory_space<hbm>> -> memref<1x128x128xf32, #tpu.memory_space<hbm>>
      %dma_wait3A_61 = tpu.memref_squeeze %dma_wait3A_60 : memref<1x128x128xf32, #tpu.memory_space<hbm>> -> memref<128x128xf32, #tpu.memory_space<hbm>>
      %dma_wait3A_62 = arith.constant 0 : i32
      %dma_wait3A_63 = tpu.memref_slice %arg9[%add3A_39, %dma_wait3A_62] : memref<10240x128xf32, #tpu.memory_space<vmem_shared>> -> memref<128x128xf32, #tpu.memory_space<vmem_shared>>
      tpu.wait_dma2 semaphore(%run_scoped3A : memref<!tpu.dma_semaphore, #tpu.memory_space<semaphore_mem>>) src(%dma_wait3A_63 : memref<128x128xf32, #tpu.memory_space<vmem_shared>>) dst(%dma_wait3A_61 : memref<128x128xf32, #tpu.memory_space<hbm>>)
      tpu.yield
    }) : () -> ()
    %mul3A_40 = arith.constant 640 : i32
    %mul3A_41 = arith.muli %arg1, %mul3A_40 : i32
    %add3A_42 = arith.constant 128 : i32
    %add3A_43 = arith.addi %mul3A_41, %add3A_42 : i32
    "tpu.region"() ({
      %run_scoped3A = tpu.sem_alloc : memref<!tpu.dma_semaphore, #tpu.memory_space<semaphore_mem>>
      %dma_start3A = arith.constant 0 : i32
      %dma_start3A_56 = tpu.memref_slice %arg5[%arg0, %add3A_43, %dma_start3A] : memref<2x10240x128xf32, #tpu.memory_space<hbm>> -> memref<1x128x128xf32, #tpu.memory_space<hbm>>
      %dma_start3A_57 = tpu.memref_squeeze %dma_start3A_56 : memref<1x128x128xf32, #tpu.memory_space<hbm>> -> memref<128x128xf32, #tpu.memory_space<hbm>>
      %dma_start3A_58 = arith.constant 0 : i32
      %dma_start3A_59 = tpu.memref_slice %arg9[%add3A_43, %dma_start3A_58] : memref<10240x128xf32, #tpu.memory_space<vmem_shared>> -> memref<128x128xf32, #tpu.memory_space<vmem_shared>>
      tpu.enqueue_dma source(%dma_start3A_59 : memref<128x128xf32, #tpu.memory_space<vmem_shared>>) target(%dma_start3A_57 : memref<128x128xf32, #tpu.memory_space<hbm>>) target_semaphore(%run_scoped3A : memref<!tpu.dma_semaphore, #tpu.memory_space<semaphore_mem>>)
      %dma_wait3A = arith.constant 0 : i32
      %dma_wait3A_60 = tpu.memref_slice %arg5[%arg0, %add3A_43, %dma_wait3A] : memref<2x10240x128xf32, #tpu.memory_space<hbm>> -> memref<1x128x128xf32, #tpu.memory_space<hbm>>
      %dma_wait3A_61 = tpu.memref_squeeze %dma_wait3A_60 : memref<1x128x128xf32, #tpu.memory_space<hbm>> -> memref<128x128xf32, #tpu.memory_space<hbm>>
      %dma_wait3A_62 = arith.constant 0 : i32
      %dma_wait3A_63 = tpu.memref_slice %arg9[%add3A_43, %dma_wait3A_62] : memref<10240x128xf32, #tpu.memory_space<vmem_shared>> -> memref<128x128xf32, #tpu.memory_space<vmem_shared>>
      tpu.wait_dma2 semaphore(%run_scoped3A : memref<!tpu.dma_semaphore, #tpu.memory_space<semaphore_mem>>) src(%dma_wait3A_63 : memref<128x128xf32, #tpu.memory_space<vmem_shared>>) dst(%dma_wait3A_61 : memref<128x128xf32, #tpu.memory_space<hbm>>)
      tpu.yield
    }) : () -> ()
    %mul3A_44 = arith.constant 640 : i32
    %mul3A_45 = arith.muli %arg1, %mul3A_44 : i32
    %add3A_46 = arith.constant 256 : i32
    %add3A_47 = arith.addi %mul3A_45, %add3A_46 : i32
    "tpu.region"() ({
      %run_scoped3A = tpu.sem_alloc : memref<!tpu.dma_semaphore, #tpu.memory_space<semaphore_mem>>
      %dma_start3A = arith.constant 0 : i32
      %dma_start3A_56 = tpu.memref_slice %arg5[%arg0, %add3A_47, %dma_start3A] : memref<2x10240x128xf32, #tpu.memory_space<hbm>> -> memref<1x128x128xf32, #tpu.memory_space<hbm>>
      %dma_start3A_57 = tpu.memref_squeeze %dma_start3A_56 : memref<1x128x128xf32, #tpu.memory_space<hbm>> -> memref<128x128xf32, #tpu.memory_space<hbm>>
      %dma_start3A_58 = arith.constant 0 : i32
      %dma_start3A_59 = tpu.memref_slice %arg9[%add3A_47, %dma_start3A_58] : memref<10240x128xf32, #tpu.memory_space<vmem_shared>> -> memref<128x128xf32, #tpu.memory_space<vmem_shared>>
      tpu.enqueue_dma source(%dma_start3A_59 : memref<128x128xf32, #tpu.memory_space<vmem_shared>>) target(%dma_start3A_57 : memref<128x128xf32, #tpu.memory_space<hbm>>) target_semaphore(%run_scoped3A : memref<!tpu.dma_semaphore, #tpu.memory_space<semaphore_mem>>)
      %dma_wait3A = arith.constant 0 : i32
      %dma_wait3A_60 = tpu.memref_slice %arg5[%arg0, %add3A_47, %dma_wait3A] : memref<2x10240x128xf32, #tpu.memory_space<hbm>> -> memref<1x128x128xf32, #tpu.memory_space<hbm>>
      %dma_wait3A_61 = tpu.memref_squeeze %dma_wait3A_60 : memref<1x128x128xf32, #tpu.memory_space<hbm>> -> memref<128x128xf32, #tpu.memory_space<hbm>>
      %dma_wait3A_62 = arith.constant 0 : i32
      %dma_wait3A_63 = tpu.memref_slice %arg9[%add3A_47, %dma_wait3A_62] : memref<10240x128xf32, #tpu.memory_space<vmem_shared>> -> memref<128x128xf32, #tpu.memory_space<vmem_shared>>
      tpu.wait_dma2 semaphore(%run_scoped3A : memref<!tpu.dma_semaphore, #tpu.memory_space<semaphore_mem>>) src(%dma_wait3A_63 : memref<128x128xf32, #tpu.memory_space<vmem_shared>>) dst(%dma_wait3A_61 : memref<128x128xf32, #tpu.memory_space<hbm>>)
      tpu.yield
    }) : () -> ()
    %mul3A_48 = arith.constant 640 : i32
    %mul3A_49 = arith.muli %arg1, %mul3A_48 : i32
    %add3A_50 = arith.constant 384 : i32
    %add3A_51 = arith.addi %mul3A_49, %add3A_50 : i32
    "tpu.region"() ({
      %run_scoped3A = tpu.sem_alloc : memref<!tpu.dma_semaphore, #tpu.memory_space<semaphore_mem>>
      %dma_start3A = arith.constant 0 : i32
      %dma_start3A_56 = tpu.memref_slice %arg5[%arg0, %add3A_51, %dma_start3A] : memref<2x10240x128xf32, #tpu.memory_space<hbm>> -> memref<1x128x128xf32, #tpu.memory_space<hbm>>
      %dma_start3A_57 = tpu.memref_squeeze %dma_start3A_56 : memref<1x128x128xf32, #tpu.memory_space<hbm>> -> memref<128x128xf32, #tpu.memory_space<hbm>>
      %dma_start3A_58 = arith.constant 0 : i32
      %dma_start3A_59 = tpu.memref_slice %arg9[%add3A_51, %dma_start3A_58] : memref<10240x128xf32, #tpu.memory_space<vmem_shared>> -> memref<128x128xf32, #tpu.memory_space<vmem_shared>>
      tpu.enqueue_dma source(%dma_start3A_59 : memref<128x128xf32, #tpu.memory_space<vmem_shared>>) target(%dma_start3A_57 : memref<128x128xf32, #tpu.memory_space<hbm>>) target_semaphore(%run_scoped3A : memref<!tpu.dma_semaphore, #tpu.memory_space<semaphore_mem>>)
      %dma_wait3A = arith.constant 0 : i32
      %dma_wait3A_60 = tpu.memref_slice %arg5[%arg0, %add3A_51, %dma_wait3A] : memref<2x10240x128xf32, #tpu.memory_space<hbm>> -> memref<1x128x128xf32, #tpu.memory_space<hbm>>
      %dma_wait3A_61 = tpu.memref_squeeze %dma_wait3A_60 : memref<1x128x128xf32, #tpu.memory_space<hbm>> -> memref<128x128xf32, #tpu.memory_space<hbm>>
      %dma_wait3A_62 = arith.constant 0 : i32
      %dma_wait3A_63 = tpu.memref_slice %arg9[%add3A_51, %dma_wait3A_62] : memref<10240x128xf32, #tpu.memory_space<vmem_shared>> -> memref<128x128xf32, #tpu.memory_space<vmem_shared>>
      tpu.wait_dma2 semaphore(%run_scoped3A : memref<!tpu.dma_semaphore, #tpu.memory_space<semaphore_mem>>) src(%dma_wait3A_63 : memref<128x128xf32, #tpu.memory_space<vmem_shared>>) dst(%dma_wait3A_61 : memref<128x128xf32, #tpu.memory_space<hbm>>)
      tpu.yield
    }) : () -> ()
    %mul3A_52 = arith.constant 640 : i32
    %mul3A_53 = arith.muli %arg1, %mul3A_52 : i32
    %add3A_54 = arith.constant 512 : i32
    %add3A_55 = arith.addi %mul3A_53, %add3A_54 : i32
    "tpu.region"() ({
      %run_scoped3A = tpu.sem_alloc : memref<!tpu.dma_semaphore, #tpu.memory_space<semaphore_mem>>
      %dma_start3A = arith.constant 0 : i32
      %dma_start3A_56 = tpu.memref_slice %arg5[%arg0, %add3A_55, %dma_start3A] : memref<2x10240x128xf32, #tpu.memory_space<hbm>> -> memref<1x128x128xf32, #tpu.memory_space<hbm>>
      %dma_start3A_57 = tpu.memref_squeeze %dma_start3A_56 : memref<1x128x128xf32, #tpu.memory_space<hbm>> -> memref<128x128xf32, #tpu.memory_space<hbm>>
      %dma_start3A_58 = arith.constant 0 : i32
      %dma_start3A_59 = tpu.memref_slice %arg9[%add3A_55, %dma_start3A_58] : memref<10240x128xf32, #tpu.memory_space<vmem_shared>> -> memref<128x128xf32, #tpu.memory_space<vmem_shared>>
      tpu.enqueue_dma source(%dma_start3A_59 : memref<128x128xf32, #tpu.memory_space<vmem_shared>>) target(%dma_start3A_57 : memref<128x128xf32, #tpu.memory_space<hbm>>) target_semaphore(%run_scoped3A : memref<!tpu.dma_semaphore, #tpu.memory_space<semaphore_mem>>)
      %dma_wait3A = arith.constant 0 : i32
      %dma_wait3A_60 = tpu.memref_slice %arg5[%arg0, %add3A_55, %dma_wait3A] : memref<2x10240x128xf32, #tpu.memory_space<hbm>> -> memref<1x128x128xf32, #tpu.memory_space<hbm>>
      %dma_wait3A_61 = tpu.memref_squeeze %dma_wait3A_60 : memref<1x128x128xf32, #tpu.memory_space<hbm>> -> memref<128x128xf32, #tpu.memory_space<hbm>>
      %dma_wait3A_62 = arith.constant 0 : i32
      %dma_wait3A_63 = tpu.memref_slice %arg9[%add3A_55, %dma_wait3A_62] : memref<10240x128xf32, #tpu.memory_space<vmem_shared>> -> memref<128x128xf32, #tpu.memory_space<vmem_shared>>
      tpu.wait_dma2 semaphore(%run_scoped3A : memref<!tpu.dma_semaphore, #tpu.memory_space<semaphore_mem>>) src(%dma_wait3A_63 : memref<128x128xf32, #tpu.memory_space<vmem_shared>>) dst(%dma_wait3A_61 : memref<128x128xf32, #tpu.memory_space<hbm>>)
      tpu.yield
    }) : () -> ()
    return
  }
}

module attributes {stable_mosaic.version = 14 : i64} {
  func.func @_mm_body(%arg0: i32, %arg1: memref<2000x1xf32, #tpu.memory_space<vmem>>, %arg2: memref<2000x1xf32, #tpu.memory_space<vmem>>, %arg3: memref<2000x128xf32, #tpu.memory_space<vmem>>, %arg4: memref<128x128xf32, #tpu.memory_space<vmem>>, %arg5: memref<2000x128xf32, #tpu.memory_space<vmem>>) attributes {dimension_semantics = [#tpu.dimension_semantics<arbitrary>], iteration_bounds = array<i64: 5>, scalar_prefetch = 0 : i64, scratch_operands = 0 : i64, tpu.core_type = #tpu.core_type<tc>, window_params = [{transform_indices = @transform_0, window_bounds = array<i64: 2000, 1>}, {transform_indices = @transform_1, window_bounds = array<i64: 2000, 1>}, {transform_indices = @transform_2, window_bounds = array<i64: 2000, 128>}, {pipeline_mode = #tpu.pipeline_mode<synchronous>, transform_indices = @transform_3, window_bounds = array<i64: 128, 128>}, {transform_indices = @transform_4, window_bounds = array<i64: 2000, 128>}]} {
    %get3A = arith.constant 0 : index
    %get3A_0 = arith.constant 0 : index
    %get3A_1 = vector.load %arg1[%get3A, %get3A_0] : memref<2000x1xf32, #tpu.memory_space<vmem>>, vector<2000x1xf32>
    %get3A_2 = arith.constant 0 : index
    %get3A_3 = arith.constant 0 : index
    %get3A_4 = vector.load %arg2[%get3A_2, %get3A_3] : memref<2000x1xf32, #tpu.memory_space<vmem>>, vector<2000x1xf32>
    %add3A = arith.addf %get3A_1, %get3A_4 : vector<2000x1xf32>
    %add3A_5 = arith.constant 1.000000e+00 : f32
    %add3A_6 = vector.broadcast %add3A_5 : f32 to vector<2000x1xf32>
    %add3A_7 = arith.addf %add3A, %add3A_6 : vector<2000x1xf32>
    %rsqrt3A = math.rsqrt %add3A_7 : vector<2000x1xf32>
    %get3A_8 = arith.constant 0 : index
    %get3A_9 = arith.constant 0 : index
    %get3A_10 = vector.load %arg3[%get3A_8, %get3A_9] : memref<2000x128xf32, #tpu.memory_space<vmem>>, vector<2000x128xf32>
    %get3A_11 = arith.constant 0 : index
    %get3A_12 = arith.constant 0 : index
    %get3A_13 = vector.load %arg4[%get3A_11, %get3A_12] : memref<128x128xf32, #tpu.memory_space<vmem>>, vector<128x128xf32>
    %dot_general3A = arith.constant dense<0.000000e+00> : vector<2000x128xf32>
    %dot_general3A_14 = tpu.matmul %get3A_10, %get3A_13, %dot_general3A {dimension_numbers = #tpu.dot_dimension_numbers<[1], [0], [0], [1], [0, 0, 1, 1], [], []>, transpose_lhs_hint = false} : vector<2000x128xf32>, vector<128x128xf32>, vector<2000x128xf32> -> vector<2000x128xf32>
    %mul3A = vector.broadcast %rsqrt3A : vector<2000x1xf32> to vector<2000x128xf32>
    %mul3A_15 = arith.mulf %dot_general3A_14, %mul3A : vector<2000x128xf32>
    %swap3A = arith.constant 0 : index
    %swap3A_16 = arith.constant 0 : index
    %swap3A_17 = vector.load %arg5[%swap3A, %swap3A_16] : memref<2000x128xf32, #tpu.memory_space<vmem>>, vector<2000x128xf32>
    tpu.vector_store %arg5[%swap3A, %swap3A_16], %mul3A_15 {strides = array<i32>} : memref<2000x128xf32, #tpu.memory_space<vmem>>, vector<2000x128xf32>,
    return
  }
  func.func @transform_0(%arg0: i32) -> (i32, i32) {
    %c0_i32 = arith.constant 0 : i32
    %c0_i32_0 = arith.constant 0 : i32
    return %arg0, %c0_i32 : i32, i32
  }
  func.func @transform_1(%arg0: i32) -> (i32, i32) {
    %c0_i32 = arith.constant 0 : i32
    %c0_i32_0 = arith.constant 0 : i32
    return %arg0, %c0_i32 : i32, i32
  }
  func.func @transform_2(%arg0: i32) -> (i32, i32) {
    %c0_i32 = arith.constant 0 : i32
    %c0_i32_0 = arith.constant 0 : i32
    return %arg0, %c0_i32 : i32, i32
  }
  func.func @transform_3(%arg0: i32) -> (i32, i32) {
    %c0_i32 = arith.constant 0 : i32
    %c0_i32_0 = arith.constant 0 : i32
    %c0_i32_1 = arith.constant 0 : i32
    return %c0_i32, %c0_i32_0 : i32, i32
  }
  func.func @transform_4(%arg0: i32) -> (i32, i32) {
    %c0_i32 = arith.constant 0 : i32
    %c0_i32_0 = arith.constant 0 : i32
    return %arg0, %c0_i32 : i32, i32
  }
}

module attributes {stable_mosaic.version = 14 : i64} {
  func.func @_fin_body(%arg0: i32, %arg1: memref<1x2000x128xf32, #tpu.memory_space<vmem>>, %arg2: memref<1x2000x128xf32, #tpu.memory_space<vmem>>, %arg3: memref<2000x128xf32, #tpu.memory_space<vmem>>, %arg4: memref<2000x1xf32, #tpu.memory_space<vmem>>, %arg5: memref<2000x1xf32, #tpu.memory_space<vmem>>, %arg6: memref<1x128xf32, #tpu.memory_space<vmem>>, %arg7: memref<2000x128xf32, #tpu.memory_space<vmem>>) attributes {dimension_semantics = [#tpu.dimension_semantics<arbitrary>], iteration_bounds = array<i64: 5>, scalar_prefetch = 0 : i64, scratch_operands = 0 : i64, tpu.core_type = #tpu.core_type<tc>, window_params = [{transform_indices = @transform_0, window_bounds = array<i64: 1, 2000, 128>}, {transform_indices = @transform_1, window_bounds = array<i64: 1, 2000, 128>}, {transform_indices = @transform_2, window_bounds = array<i64: 2000, 128>}, {transform_indices = @transform_3, window_bounds = array<i64: 2000, 1>}, {transform_indices = @transform_4, window_bounds = array<i64: 2000, 1>}, {pipeline_mode = #tpu.pipeline_mode<synchronous>, transform_indices = @transform_5, window_bounds = array<i64: 1, 128>}, {transform_indices = @transform_6, window_bounds = array<i64: 2000, 128>}]} {
    %get3A = arith.constant 0 : index
    %get3A_0 = arith.constant 0 : index
    %get3A_1 = vector.load %arg4[%get3A, %get3A_0] : memref<2000x1xf32, #tpu.memory_space<vmem>>, vector<2000x1xf32>
    %get3A_2 = arith.constant 0 : index
    %get3A_3 = arith.constant 0 : index
    %get3A_4 = vector.load %arg5[%get3A_2, %get3A_3] : memref<2000x1xf32, #tpu.memory_space<vmem>>, vector<2000x1xf32>
    %add3A = arith.addf %get3A_1, %get3A_4 : vector<2000x1xf32>
    %add3A_5 = arith.constant 1.000000e+00 : f32
    %add3A_6 = vector.broadcast %add3A_5 : f32 to vector<2000x1xf32>
    %add3A_7 = arith.addf %add3A, %add3A_6 : vector<2000x1xf32>
    %rsqrt3A = math.rsqrt %add3A_7 : vector<2000x1xf32>
    %get3A_8 = arith.constant 0 : index
    %get3A_9 = arith.constant 0 : index
    %get3A_10 = arith.constant 0 : index
    %get3A_11 = vector.load %arg1[%get3A_8, %get3A_9, %get3A_10] : memref<1x2000x128xf32, #tpu.memory_space<vmem>>, vector<1x2000x128xf32>
    %get3A_12 = vector.shape_cast %get3A_11 : vector<1x2000x128xf32> to vector<2000x128xf32>
    %get3A_13 = arith.constant 0 : index
    %get3A_14 = arith.constant 0 : index
    %get3A_15 = arith.constant 0 : index
    %get3A_16 = vector.load %arg2[%get3A_13, %get3A_14, %get3A_15] : memref<1x2000x128xf32, #tpu.memory_space<vmem>>, vector<1x2000x128xf32>
    %get3A_17 = vector.shape_cast %get3A_16 : vector<1x2000x128xf32> to vector<2000x128xf32>
    %add3A_18 = arith.addf %get3A_12, %get3A_17 : vector<2000x128xf32>
    %get3A_19 = arith.constant 0 : index
    %get3A_20 = arith.constant 0 : index
    %get3A_21 = vector.load %arg3[%get3A_19, %get3A_20] : memref<2000x128xf32, #tpu.memory_space<vmem>>, vector<2000x128xf32>
    %add3A_22 = arith.addf %add3A_18, %get3A_21 : vector<2000x128xf32>
    %mul3A = vector.broadcast %rsqrt3A : vector<2000x1xf32> to vector<2000x128xf32>
    %mul3A_23 = arith.mulf %add3A_22, %mul3A : vector<2000x128xf32>
    %get3A_24 = arith.constant 0 : index
    %get3A_25 = arith.constant 0 : index
    %get3A_26 = vector.load %arg6[%get3A_24, %get3A_25] : memref<1x128xf32, #tpu.memory_space<vmem>>, vector<1x128xf32>
    %add3A_27 = vector.broadcast %get3A_26 : vector<1x128xf32> to vector<2000x128xf32>
    %add3A_28 = arith.addf %mul3A_23, %add3A_27 : vector<2000x128xf32>
    %swap3A = arith.constant 0 : index
    %swap3A_29 = arith.constant 0 : index
    %swap3A_30 = vector.load %arg7[%swap3A, %swap3A_29] : memref<2000x128xf32, #tpu.memory_space<vmem>>, vector<2000x128xf32>
    tpu.vector_store %arg7[%swap3A, %swap3A_29], %add3A_28 {strides = array<i32>} : memref<2000x128xf32, #tpu.memory_space<vmem>>, vector<2000x128xf32>,
    return
  }
  func.func @transform_0(%arg0: i32) -> (i32, i32, i32) {
    %c0_i32 = arith.constant 0 : i32
    %c0_i32_0 = arith.constant 0 : i32
    %c0_i32_1 = arith.constant 0 : i32
    return %c0_i32, %arg0, %c0_i32_0 : i32, i32, i32
  }
  func.func @transform_1(%arg0: i32) -> (i32, i32, i32) {
    %c1_i32 = arith.constant 1 : i32
    %c0_i32 = arith.constant 0 : i32
    %c0_i32_0 = arith.constant 0 : i32
    return %c1_i32, %arg0, %c0_i32 : i32, i32, i32
  }
  func.func @transform_2(%arg0: i32) -> (i32, i32) {
    %c0_i32 = arith.constant 0 : i32
    %c0_i32_0 = arith.constant 0 : i32
    return %arg0, %c0_i32 : i32, i32
  }
  func.func @transform_3(%arg0: i32) -> (i32, i32) {
    %c0_i32 = arith.constant 0 : i32
    %c0_i32_0 = arith.constant 0 : i32
    return %arg0, %c0_i32 : i32, i32
  }
  func.func @transform_4(%arg0: i32) -> (i32, i32) {
    %c0_i32 = arith.constant 0 : i32
    %c0_i32_0 = arith.constant 0 : i32
    return %arg0, %c0_i32 : i32, i32
  }
  func.func @transform_5(%arg0: i32) -> (i32, i32) {
    %c0_i32 = arith.constant 0 : i32
    %c0_i32_0 = arith.constant 0 : i32
    %c0_i32_1 = arith.constant 0 : i32
    return %c0_i32, %c0_i32_0 : i32, i32
  }
  func.func @transform_6(%arg0: i32) -> (i32, i32) {
    %c0_i32 = arith.constant 0 : i32
    %c0_i32_0 = arith.constant 0 : i32
    return %arg0, %c0_i32 : i32, i32
  }
}

</mosaic_0001>

<sc_bundles>
// kernel: kernel.6.cloned.1.call-start
scs
__scs_entry_jumppad:
0x0: {  	(pc) =	sbr.rel $0x88, $3  }
0x1: {  	(tag) =	ssettag $0x0;
	lr =	simm.s32 $0x1  }
0x2: {  	[smem:$0x3F9D] =	sst lr;
	_ =	strace $0xD0000000  }
0x3: {  	_ = 	snop  }
0x4: {  	_ = 	snop  }
0x5: {  	_ = 	snop  }
0x6: {  	_ = 	snop  }
0x7: {  	_ = 	snop  }
__scs_overlays_trampoline_lowered:
0x8: {  	[smem:$0x3FAC] =	sst s0  }
0x9: {  	[smem:$0x3FAD] =	sst s1  }
0xa: {  	[smem:$0x3FAE] =	sst s2  }
0xb: {  	[smem:$0x3FAF] =	sst s3  }
0xc: {  	[smem:$0x3FB0] =	sst s4  }
0xd: {  	[smem:$0x3FB1] =	sst s5  }
0xe: {  	[smem:$0x3FB2] =	sst s6  }
0xf: {  	[smem:$0x3FB3] =	sst s7  }
0x10: {  	[smem:$0x3FB4] =	sst s8  }
0x11: {  	[smem:$0x3FB5] =	sst s9;
	s0 =	simm.s32 @!p0 $0x0  }
0x12: {  	s1 =	sld [smem:$0x3F9B];
	s0 =	simm.s32 @p0 $0x1  }
0x13: {  	[smem:$0x3FB6] =	sst s0;
	s0 =	simm.s32 @!p1 $0x0  }
0x14: {  	s2 =	sld [smem:$0x3F9A];
	s0 =	simm.s32 @p1 $0x1  }
0x15: {  	[smem:$0x3FB7] =	sst s0;
	s0 =	simm.s32 @!p2 $0x0  }
0x16: {  	s3 =	sld [smem:$0x3FDB];
	s0 =	simm.s32 @p2 $0x1  }
0x17: {  	s4 =	simm.s32 $0x1BF5;
	[smem:$0x3FB9] =	sst s0  }
0x18: {  	s0 =	sld [smem:$0x3F9C];
	_ =	swait.ge [sflag:s4], $0x0  }
0x19: {  	s7 =	sld [smem:$0x3F9D]  }
0x1a: {  	s8 =	sadd.s32 $0xFFFFE003, lr  }
0x1b: {  	s9 =	sadd.s32 $0xFFFFFEF7, lr;
	s5 =	simm.s32 $0xFFFFFFFF;
	p2 =	slt.u32 s8, $0xFFFFF086  }
0x1c: {  	p1 =	slt.u32 s9, $0xF7A;
	s5 =	simm.s32 @!p2 $0x0  }
0x1d: {  	s5 =	simm.s32 @p1 $0x1;
	p0 =	seq.s32 s7, s2  }
0x1e: {  	s7 =	smul.u32 @!p0 $0xF7A, s2;
	p2 =	seq.s32 @!p0 s5, $0x0  }
0x1f: {  	s9 =	smul.u32 $0xF7A, s1;
	s8 =	simm.s32 @!p0 $0x1BF5;
	p2 =	por !p2, p0  }
0x20: {  	[sflag:s8] =	ssyncset.s32 @!p0 $0xFFFFF086;
	s6 =	sadd.s32 @!p0 s3, s7;
	s7 =	simm.s32 @!p0 $0x108  }
0x21: {  	s3 =	sadd.s32 s3, s9;
	s6 =	sadd.s32 @!p0 $0x88, s6;
	s7 =	simm.s32 @p2 $0x1082  }
0x22: {  	[simem:s7], [sflag:s8] =	dma.local @!p0 [hbm:s6], $0xF7A  }
0x23: {  	s9 =	sor.u32 $0xD0000000, s2;
	s6 =	simm.s32 $0x108;
	_ =	swait.ge @!p0 [sflag:s8], $0x0  }
0x24: {  	s3 =	sadd.s32 $0x88, s3;
	s6 =	simm.s32 @!p1 $0x1082;
	[sflag:s4] =	ssyncset.s32 $0xFFFFF086  }
0x25: {  	[simem:s6], [sflag:s4] =	dma.local [hbm:s3], $0xF7A  }
0x26: {  	[smem:$0x3F9D] =	sst s1;
	(tag) =	ssettag s2;
	_ =	strace s9  }
0x27: {  	s1 =	sld [smem:$0x3FAD]  }
0x28: {  	s2 =	sld [smem:$0x3FAE]  }
0x29: {  	s4 =	sld [smem:$0x3FB0]  }
0x2a: {  	p0 =	seq.s32 s5, $0x0;
	s5 =	sld [smem:$0x3FB1]  }
0x2b: {  	s6 =	sld [smem:$0x3FB2]  }
0x2c: {  	s7 =	sld [smem:$0x3FB3]  }
0x2d: {  	s3 =	simm.s32 $0x108;
	s8 =	sld [smem:$0x3FB4]  }
0x2e: {  	s3 =	simm.s32 @!p0 $0x1082;
	s9 =	sld [smem:$0x3FB5]  }
0x2f: {  	lr =	sadd.s32 s0, s3;
	s0 =	sld [smem:$0x3FAC]  }
0x30: {  	s3 =	sld [smem:$0x3FAF]  }
0x31: {  	[smem:$0x3FB8] =	sst s10  }
0x32: {  	s10 =	sld [smem:$0x3FB6];
	_ =	sdelay $0x3  }
0x33: {  	p0 =	seq.s32 s10, $0x1;
	s10 =	sld [smem:$0x3FB8];
	_ =	sdelay $0x3  }
0x34: {  	[smem:$0x3FB8] =	sst s10  }
0x35: {  	s10 =	sld [smem:$0x3FB7];
	_ =	sdelay $0x3  }
0x36: {  	p1 =	seq.s32 s10, $0x1;
	s10 =	sld [smem:$0x3FB8];
	_ =	sdelay $0x3  }
0x37: {  	[smem:$0x3FB8] =	sst s10  }
0x38: {  	s10 =	sld [smem:$0x3FB9]  }
0x39: {  	_ = 	snop;
	(pc) =	sbr.ind lr, $3  }
0x3a: {  	_ = 	snop  }
0x3b: {  	_ = 	snop  }
0x3c: {  	p2 =	seq.s32 s10, $0x1;
	s10 =	sld [smem:$0x3FB8]  }
0x3d: {  	_ =	shalt  }
0x3e: {  	_ =	shalt  }
0x3f: {  	_ =	shalt  }
0x40: {  	_ =	shalt  }
0x41: {  	_ =	shalt  }
0x42: {  	_ =	shalt  }
0x43: {  	_ =	shalt  }
0x44: {  	_ =	shalt  }
0x45: {  	_ =	shalt  }
0x46: {  	_ =	shalt  }
0x47: {  	_ =	shalt  }
0x48: {  	_ =	shalt  }
0x49: {  	_ =	shalt  }
0x4a: {  	_ =	shalt  }
0x4b: {  	_ =	shalt  }
0x4c: {  	_ =	shalt  }
0x4d: {  	_ =	shalt  }
0x4e: {  	_ =	shalt  }
0x4f: {  	_ =	shalt  }
0x50: {  	_ =	shalt  }
0x51: {  	_ =	shalt  }
0x52: {  	_ =	shalt  }
0x53: {  	_ =	shalt  }
0x54: {  	_ =	shalt  }
0x55: {  	_ =	shalt  }
0x56: {  	_ =	shalt  }
0x57: {  	_ =	shalt  }
0x58: {  	_ =	shalt  }
0x59: {  	_ =	shalt  }
0x5a: {  	_ =	shalt  }
0x5b: {  	_ =	shalt  }
0x5c: {  	_ =	shalt  }
0x5d: {  	_ =	shalt  }
0x5e: {  	_ =	shalt  }
0x5f: {  	_ =	shalt  }
0x60: {  	_ =	shalt  }
0x61: {  	_ =	shalt  }
0x62: {  	_ =	shalt  }
0x63: {  	_ =	shalt  }
0x64: {  	_ =	shalt  }
0x65: {  	_ =	shalt  }
0x66: {  	_ =	shalt  }
0x67: {  	_ =	shalt  }
0x68: {  	_ =	shalt  }
0x69: {  	_ =	shalt  }
0x6a: {  	_ =	shalt  }
0x6b: {  	_ =	shalt  }
0x6c: {  	_ =	shalt  }
0x6d: {  	_ =	shalt  }
0x6e: {  	_ =	shalt  }
0x6f: {  	_ =	shalt  }
0x70: {  	_ =	shalt  }
0x71: {  	_ =	shalt  }
0x72: {  	_ =	shalt  }
0x73: {  	_ =	shalt  }
0x74: {  	_ =	shalt  }
0x75: {  	_ =	shalt  }
0x76: {  	_ =	shalt  }
0x77: {  	_ =	shalt  }
0x78: {  	_ =	shalt  }
0x79: {  	_ =	shalt  }
0x7a: {  	_ =	shalt  }
0x7b: {  	_ =	shalt  }
0x7c: {  	_ =	shalt  }
0x7d: {  	_ =	shalt  }
0x7e: {  	_ =	shalt  }
0x7f: {  	_ =	shalt  }
0x80: {  	_ =	shalt  }
0x81: {  	_ =	shalt  }
0x82: {  	_ =	shalt  }
0x83: {  	_ =	shalt  }
0x84: {  	_ =	shalt  }
0x85: {  	_ =	shalt  }
0x86: {  	_ =	shalt  }
0x87: {  	_ =	shalt  }
.Lfunc_end0:
.L_simem_size_0:
called_computation_lowered:
.L_overlay_start_0:
0x88: {  	s2 =	sld [smem:$0x3FD9]  }
0x89: {  	s3 =	sld [smem:$0x3FFE];
	_ =	sdelay $0x1  }
0x8a: {  	s1 =	srdreg.scid  }
0x8b: {  	s0 =	sand.u32 $0x1, s1  }
0x8c: {  	s17 =	sshll.u32 s0, $0xA;
	s2 =	sadd.s32 s3, s2  }
0x8d: {  	s2 =	sadd.s32 s2, s17  }
0x8e: {  	[smem:$0x3FC4] =	sst s2  }
0x8f: {  	_ = 	snop  }
0x90: {  	s2 =	sld [smem:$0x3FD0];
	(tm) =	ssettm $0x1  }
0x91: {  	s18 =	sld [smem:$0x3FFB];
	_ =	sdelay $0x3  }
0x92: {  	_ =	strace s18  }
0x93: {  	s3 =	sld [smem:$0x3FFC];
	_ =	sdelay $0x3  }
0x94: {  	_ =	strace s3  }
0x95: {  	s3 =	sld [smem:$0x3FFD];
	_ =	sdelay $0x3  }
0x96: {  	_ =	strace s3  }
0x97: {  	_ =	strace $0x8FFFFFFF  }
0x98: {  	s19 =	sld [smem:$0x3FDB];
	_ =	sdelay $0x1  }
0x99: {  	s4 =	simm.s32 $_scs_section_size  }
0x9a: {  	s5 =	simm.s32 $_size__tile_overlayer_lowered;
	s6 =	simm.s32 $_tile_overlayer_lowered  }
0x9b: {  	s22 =	simm.s32 $0x1BFF;
	s21 =	sshll.u32 s6, $0x1;
	s3 =	sadd.s32 s4, s19  }
0x9c: {  	s7 =	simm.s32 $0x0;
	s20 =	sshll.u32 s5, $0x1;
	s5 =	sadd.s32 s21, s3  }
0x9d: {  	[timem:s7], [sflag:s22] =	dma.local [hbm:s5], s20  }
0x9e: {  	_ =	swait.ge [sflag:s22], s20  }
0x9f: {  	s4 =	ssub.s32 $0x0, s20;
	[sflag:s22] =	ssyncset.done $0x0  }
0xa0: {  	[sflag:s22] =	ssyncadd.s32 s4;
	_ =	sdelay $0x1  }
0xa1: {  	s23 =	simm.s32 $0x1B8B  }
0xa2: {  	_ =	swait.ge [sflag:s23], $0x1  }
0xa3: {  	[sflag:s23] =	ssyncset.done $0x0  }
0xa4: {  	s25 =	simm.s32 $0x1B8E;
	s24 =	sld [smem:$0x3FFE];
	[sflag:s23] =	ssyncadd.s32 $0xFFFFFFFF  }
0xa5: {  	s26 =	simm.s32 $execute0_lowered;
	[smem:$0x3FD2] =	sst s25  }
0xa6: {  	s5 =	sshll.u32 s26, $0x1;
	_ =	strace $0x80000046;
	[dreg:$0x1] =	wrdreg $0xFFFFFFFF  }
0xa7: {  	s28 =	simm.s32 $_size_execute0_lowered;
	s3 =	sadd.s32 s3, s5;
	[dreg:$0x0] =	wrdreg $0x0  }
0xa8: {  	s5 =	sshll.u32 s28, $0x1;
	[dreg:$0x2] =	wrdreg s3  }
0xa9: {  	[dreg:$0x3] =	wrdreg s5  }
0xaa: {  	[dreg:$0x4] =	wrdreg $0xC0  }
0xab: {  	_ =	task [dreg:s7], $0x5FFFF  }
0xac: {  	[dreg:$0x1] =	wrdreg $0xFFFFFFFF  }
0xad: {  	[dreg:$0x0] =	wrdreg $0x60  }
0xae: {  	[dreg:$0x2] =	wrdreg s24  }
0xaf: {  	[dreg:$0x3] =	wrdreg s2  }
0xb0: {  	[dreg:$0x4] =	wrdreg $0x2B000  }
0xb1: {  	[dreg:$0x5] =	wrdreg $0x9  }
0xb2: {  	_ =	task.clear_ibuf [dreg:s7], $0x6FFFF;
	_ =	strace $0x90000046  }
0xb3: {  	s29 =	simm.s32 $0x9;
	_ =	strace $0x80000048  }
0xb4: {  	_ =	swait.ge [sflag:s29], $0x1  }
0xb5: {  	[sflag:s29] =	ssyncadd.s32 $0xFFFFFFFF  }
0xb6: {  	_ =	strace $0x90000048  }
0xb7: {  	_ =	sfence  }
0xb8: {  	s30 =	sld [smem:$0x0];
	_ =	sdelay $0x2  }
0xb9: {  	s31 =	sshll.u32 s1, $0xD;
	s1 =	sshrl.u32 s1, $0x2  }
0xba: {  	s3 =	sand.u32 $0x4000, s31;
	s1 =	sadd.s32 s1, s30  }
0xbb: {  	s0 =	sor.u32 s3, s0;
	s1 =	sshll.u32 s1, $0x11  }
0xbc: {  	s0 =	sor.u32 s1, s0  }
0xbd: {  	s0 =	sadd.s32 $0x8F2B, s0  }
0xbe: {  	[sflag:s0] =	ssyncadd.remote.s32 $0x1  }
0xbf: {  	_ =	sfence.sel $0xFFFF  }
0xc0: {  	[dreg:$0x0] =	wrdreg $0xFFFFFFFF;
	(pc) =	sbr.abs _section_cstart, $3  }
0xc1: {  	[dreg:$0x1] =	wrdreg $0xFFFFFFFF  }
0xc2: {  	_ =	task.clear_ibuf [dreg:s7], $0x2FFFF;
	_ =	strace $0x9FFFFFFF  }
0xc3: {  	(tm) =	ssettm $0x7FFFFFFF  }
tec
execute0_lowered:
.L_overlay_start_1:
0x0: {  	(tag) =	ssettag $0x1  }
0x1: {  	s4 =	rddreg [dreg:$0x0];
	s1 =	srdreg.scid  }
0x2: {  	s0 =	stileid.u32;
	s6 =	rddreg [dreg:$0x1]  }
0x3: {  	s2 =	rddreg [dreg:$0x2];
	s3 =	simm.s32 $0x0;
	s11 =	simm.s32 $0x2800  }
0x4: {  	s14 =	simm.s32 $0x20;
	s15 =	simm.s32 $0x10;
	s16 =	simm.s32 $0x0  }
0x5: {  	s5 =	sand.u32 $0x1, s1;
	s1 =	rddreg [dreg:$0x3];
	s8 =	smul.u32 $0xA00, s0  }
0x6: {  	s26 =	sshll.u32 s0, $0x1;
	[smem:$0x7FF] =	sst s3;
	s10 =	smul.u32 $0x500, s0  }
0x7: {  	s12 =	sshll.u32 s0, $0x6;
	s7 =	sor.u32 s5, s26;
	_ =	strace $0x80000047  }
0x8: {  	s9 =	ssub.s32 $0x2, s5;
	s5 =	sshll.u32 s5, $0x7;
	s12 =	sor.u32 $0x1C01, s12  }
0x9: {  	s7 =	smul.u32 $0x500, s7;
	s28 =	sshrl.u32 s9, $0x1;
	s29 =	sshrl.u32 s8, $0x2  }
0xa: {  	s30 =	sor.u32 s5, s10;
	s8 =	simm.s32 $0x2880;
	s10 =	simm.s32 $0x80  }
0xb: {  	s9 =	ssub.s32 s9, s28;
	s31 =	sshrl.u32 s30, $0x3;
	s7 =	sadd.s32 s7, s4  }
0xc: {  	s4 =	sadd.s32 s29, s2;
	s6 =	sadd.s32 s6, s31;
	s5 =	sadd.s32 $0x1200, s7  }
0xd: {  	v0 =	vimm.f32 $0.0e+00;
	v1 =	vimm.f32 $1.000000000e+00;
	s7 =	smax.u32 s9, $0x1;
	s9 =	simm.s32 $0x1;
	s13 =	sshrl.u32 s4, $0x3  }
.LBB2_1:
0xe: {  	[tilespmem:$0x2880] =	vst v0  }
0xf: {  	[tilespmem:$0x2890] =	vst v0  }
0x10: {  	[tilespmem:$0x28A0] =	vst v0  }
0x11: {  	[tilespmem:$0x28B0] =	vst v0  }
0x12: {  	[tilespmem:$0x28C0] =	vst v0  }
0x13: {  	[tilespmem:$0x28D0] =	vst v0  }
0x14: {  	[tilespmem:$0x28E0] =	vst v0  }
0x15: {  	[tilespmem:$0x28F0] =	vst v0  }
0x16: {  	[tilespmem:$0x2900] =	vst v0  }
0x17: {  	[tilespmem:$0x2910] =	vst v0  }
0x18: {  	[tilespmem:$0x2920] =	vst v0  }
0x19: {  	[tilespmem:$0x2930] =	vst v0  }
0x1a: {  	[tilespmem:$0x2940] =	vst v0  }
0x1b: {  	[tilespmem:$0x2950] =	vst v0  }
0x1c: {  	[tilespmem:$0x2960] =	vst v0  }
0x1d: {  	[tilespmem:$0x2970] =	vst v0  }
0x1e: {  	[tilespmem:$0x2980] =	vst v0  }
0x1f: {  	[tilespmem:$0x2990] =	vst v0  }
0x20: {  	[tilespmem:$0x29A0] =	vst v0  }
0x21: {  	[tilespmem:$0x29B0] =	vst v0  }
0x22: {  	[tilespmem:$0x29C0] =	vst v0  }
0x23: {  	[tilespmem:$0x29D0] =	vst v0  }
0x24: {  	[tilespmem:$0x29E0] =	vst v0  }
0x25: {  	[tilespmem:$0x29F0] =	vst v0  }
0x26: {  	[tilespmem:$0x2A00] =	vst v0  }
0x27: {  	[tilespmem:$0x2A10] =	vst v0  }
0x28: {  	[tilespmem:$0x2A20] =	vst v0  }
0x29: {  	[tilespmem:$0x2A30] =	vst v0  }
0x2a: {  	[tilespmem:$0x2A40] =	vst v0  }
0x2b: {  	[tilespmem:$0x2A50] =	vst v0  }
0x2c: {  	[tilespmem:$0x2A60] =	vst v0  }
0x2d: {  	[tilespmem:$0x2A70] =	vst v0  }
0x2e: {  	[tilespmem:$0x2A80] =	vst v0  }
0x2f: {  	[tilespmem:$0x2A90] =	vst v0  }
0x30: {  	[tilespmem:$0x2AA0] =	vst v0  }
0x31: {  	[tilespmem:$0x2AB0] =	vst v0  }
0x32: {  	[tilespmem:$0x2AC0] =	vst v0  }
0x33: {  	[tilespmem:$0x2AD0] =	vst v0  }
0x34: {  	[tilespmem:$0x2AE0] =	vst v0  }
0x35: {  	[tilespmem:$0x2AF0] =	vst v0  }
0x36: {  	[tilespmem:$0x2800] =	vst v1  }
0x37: {  	[tilespmem:$0x2810] =	vst v1  }
0x38: {  	[tilespmem:$0x2820] =	vst v1  }
0x39: {  	[tilespmem:$0x2830] =	vst v1  }
0x3a: {  	[tilespmem:$0x2840] =	vst v1  }
0x3b: {  	[tilespmem:$0x2850] =	vst v1  }
0x3c: {  	[tilespmem:$0x2860] =	vst v1  }
0x3d: {  	[tilespmem:$0x2870] =	vst v1  }
0x3e: {  	[spmem:s4] =	stream.linear.scatter [tilespmem:s8], [sflag:$0x1], $0x280, $0x38;
	[tilespmem:$0x2D80] =	vst v63  }
0x3f: {  	_ =	swait.ge [sflag:s9], $0x280  }
0x40: {  	[sflag:s9] =	ssyncset.done $0x0  }
0x41: {  	[sflag:s9] =	ssyncadd.s32 $0xFFFFFD80  }
0x42: {  	[tilespmem:s3], [sflag:$0x1] =	stream.linear.gather [hbm4b:s5+s3], $0x2780, $0x38;
	[tilespmem:$0x2D80] =	vst v63  }
0x43: {  	_ =	swait.ge [sflag:s9], $0x2780  }
0x44: {  	[sflag:s9] =	ssyncset.done $0x0  }
0x45: {  	[sflag:s9] =	ssyncadd.s32 $0xFFFFD880  }
0x46: {  	s17 =	simm.s32 $0x0;
	[bflag:$0x0] =	sbarrier.arrive $0xFFFF  }
0x47: {  	[spmem:s2] =	stream.indirect.scatter.add.f32 [tilespmem:s11], [sflag:$0x1], $0x1, s17, s10, $0xb8;
	[tilespmem:$0x2D80] =	vst v63  }
0x48: {  	_ =	swait.ge [sflag:s9], $0x80  }
0x49: {  	s17 =	simm.s32 $0x200;
	[sflag:s9] =	ssyncset.done $0x0  }
.LBB2_2:
0x4a: {  	s18 =	sshra.s32 s17, $0x2;
	[sflag:s9] =	ssyncadd.s32 $0xFFFFFF80;
	p0 =	sne.s32 s17, $0x9C00  }
0x4b: {  	[spmem:s2] =	stream.indirect.scatter.add.f32 [tilespmem:s11], [sflag:$0x1], $0x1, s18, s10, $0xb8;
	[tilespmem:$0x2D80] =	vst v63  }
.Ltmp0:
0x4c: {  	_ = 	snop;
	(pc) =	sbr.rel @p0 .LBB2_2-.Ltmp0, $4  }
0x4d: {  	_ = 	snop  }
0x4e: {  	s17 =	sadd.s32 $0x200, s17  }
0x4f: {  	_ =	swait.ge [sflag:s9], $0x80  }
0x50: {  	[sflag:s9] =	ssyncset.done $0x0  }
0x51: {  	s16 =	sadd.s32 $0x1, s16  }
0x52: {  	[sflag:s9] =	ssyncadd.s32 $0xFFFFFF80;
	p0 =	sne.s32 s16, s7  }
.Ltmp1:
0x53: {  	[bflag:$0x0] =	sbarrier.arrive $0xFFFF;
	(pc) =	sbr.rel @p0 .LBB2_1-.Ltmp1, $4  }
0x54: {  	[hbm:s6@s14], [sflag:s12] =	dma.strided [spmem:s13@s15], $0x50, s9, $0x10   }
0x55: {  	_ =	swait.ge [sflag:s9], $0x50  }
0x56: {  	[sflag:s9] =	ssyncset.done $0x0  }
0x57: {  	[sflag:s9] =	ssyncadd.s32 $0xFFFFFFB0  }
0x58: {  	_ =	sfence.sel $0x180000  }
0x59: {  	[bflag:$0x0] =	sbarrier.arrive $0xFFFF  }
0x5a: {  	p0 =	sne.s32 s0, $0x0;
	_ =	strace $0x90000047  }
0x5b: {  	s0 =	sadd.s32 @!p0 $0x100000, s1;
	[bflag:$0x2] =	sbarrier.arrive $0xFFFF  }
0x5c: {  	[sflag:s0] =	ssyncadd.tile.s32 @!p0 $0x1;
	_ =	shalt  }
.Lfunc_end2:
_tile_overlayer_lowered:
.L_overlay_start_2:
0x5d: {  	(tag) =	ssettag $0x2  }
0x5e: {  	s0 =	rddreg [dreg:$0x0];
	s2 =	stileid.u32  }
0x5f: {  	s1 =	rddreg [dreg:$0x1];
	p0 =	sne.s32 s2, $0x0  }
0x60: {  	s3 =	rddreg [dreg:$0x2];
	[bflag:$0x3] =	sbarrier.arrive $0xFFFF;
	s2 =	simm.s32 @!p0 $0x1C01  }
0x61: {  	[timem:s3], [sflag:s2] =	dma.local @!p0 [hbm:s0], s1  }
0x62: {  	s0 =	simm.s32 @!p0 $0x1  }
0x63: {  	_ =	swait.ge @!p0 [sflag:s0], s1  }
0x64: {  	s1 =	ssub.s32 @!p0 $0x0, s1;
	[sflag:s0] =	ssyncset.done @!p0 $0x0  }
0x65: {  	[sflag:s0] =	ssyncadd.s32 @!p0 s1  }
0x66: {  	[bflag:$0x3] =	sbarrier.arrive $0xFFFF  }
0x67: {  	_ =	shalt  }

// kernel: kernel.9.cloned.1.call-start
scs
__scs_entry_jumppad:
0x0: {  	(pc) =	sbr.rel $0x88, $3  }
0x1: {  	(tag) =	ssettag $0x0;
	lr =	simm.s32 $0x1  }
0x2: {  	[smem:$0x3F9D] =	sst lr;
	_ =	strace $0xD0000000  }
0x3: {  	_ = 	snop  }
0x4: {  	_ = 	snop  }
0x5: {  	_ = 	snop  }
0x6: {  	_ = 	snop  }
0x7: {  	_ = 	snop  }
__scs_overlays_trampoline_lowered:
0x8: {  	[smem:$0x3FAC] =	sst s0  }
0x9: {  	[smem:$0x3FAD] =	sst s1  }
0xa: {  	[smem:$0x3FAE] =	sst s2  }
0xb: {  	[smem:$0x3FAF] =	sst s3  }
0xc: {  	[smem:$0x3FB0] =	sst s4  }
0xd: {  	[smem:$0x3FB1] =	sst s5  }
0xe: {  	[smem:$0x3FB2] =	sst s6  }
0xf: {  	[smem:$0x3FB3] =	sst s7  }
0x10: {  	[smem:$0x3FB4] =	sst s8  }
0x11: {  	[smem:$0x3FB5] =	sst s9;
	s0 =	simm.s32 @!p0 $0x0  }
0x12: {  	s1 =	sld [smem:$0x3F9B];
	s0 =	simm.s32 @p0 $0x1  }
0x13: {  	[smem:$0x3FB6] =	sst s0;
	s0 =	simm.s32 @!p1 $0x0  }
0x14: {  	s2 =	sld [smem:$0x3F9A];
	s0 =	simm.s32 @p1 $0x1  }
0x15: {  	[smem:$0x3FB7] =	sst s0;
	s0 =	simm.s32 @!p2 $0x0  }
0x16: {  	s3 =	sld [smem:$0x3FDB];
	s0 =	simm.s32 @p2 $0x1  }
0x17: {  	s4 =	simm.s32 $0x1BF5;
	[smem:$0x3FB9] =	sst s0  }
0x18: {  	s0 =	sld [smem:$0x3F9C];
	_ =	swait.ge [sflag:s4], $0x0  }
0x19: {  	s7 =	sld [smem:$0x3F9D]  }
0x1a: {  	s8 =	sadd.s32 $0xFFFFE003, lr  }
0x1b: {  	s9 =	sadd.s32 $0xFFFFFEF7, lr;
	s5 =	simm.s32 $0xFFFFFFFF;
	p2 =	slt.u32 s8, $0xFFFFF086  }
0x1c: {  	p1 =	slt.u32 s9, $0xF7A;
	s5 =	simm.s32 @!p2 $0x0  }
0x1d: {  	s5 =	simm.s32 @p1 $0x1;
	p0 =	seq.s32 s7, s2  }
0x1e: {  	s7 =	smul.u32 @!p0 $0xF7A, s2;
	p2 =	seq.s32 @!p0 s5, $0x0  }
0x1f: {  	s9 =	smul.u32 $0xF7A, s1;
	s8 =	simm.s32 @!p0 $0x1BF5;
	p2 =	por !p2, p0  }
0x20: {  	[sflag:s8] =	ssyncset.s32 @!p0 $0xFFFFF086;
	s6 =	sadd.s32 @!p0 s3, s7;
	s7 =	simm.s32 @!p0 $0x108  }
0x21: {  	s3 =	sadd.s32 s3, s9;
	s6 =	sadd.s32 @!p0 $0x88, s6;
	s7 =	simm.s32 @p2 $0x1082  }
0x22: {  	[simem:s7], [sflag:s8] =	dma.local @!p0 [hbm:s6], $0xF7A  }
0x23: {  	s9 =	sor.u32 $0xD0000000, s2;
	s6 =	simm.s32 $0x108;
	_ =	swait.ge @!p0 [sflag:s8], $0x0  }
0x24: {  	s3 =	sadd.s32 $0x88, s3;
	s6 =	simm.s32 @!p1 $0x1082;
	[sflag:s4] =	ssyncset.s32 $0xFFFFF086  }
0x25: {  	[simem:s6], [sflag:s4] =	dma.local [hbm:s3], $0xF7A  }
0x26: {  	[smem:$0x3F9D] =	sst s1;
	(tag) =	ssettag s2;
	_ =	strace s9  }
0x27: {  	s1 =	sld [smem:$0x3FAD]  }
0x28: {  	s2 =	sld [smem:$0x3FAE]  }
0x29: {  	s4 =	sld [smem:$0x3FB0]  }
0x2a: {  	p0 =	seq.s32 s5, $0x0;
	s5 =	sld [smem:$0x3FB1]  }
0x2b: {  	s6 =	sld [smem:$0x3FB2]  }
0x2c: {  	s7 =	sld [smem:$0x3FB3]  }
0x2d: {  	s3 =	simm.s32 $0x108;
	s8 =	sld [smem:$0x3FB4]  }
0x2e: {  	s3 =	simm.s32 @!p0 $0x1082;
	s9 =	sld [smem:$0x3FB5]  }
0x2f: {  	lr =	sadd.s32 s0, s3;
	s0 =	sld [smem:$0x3FAC]  }
0x30: {  	s3 =	sld [smem:$0x3FAF]  }
0x31: {  	[smem:$0x3FB8] =	sst s10  }
0x32: {  	s10 =	sld [smem:$0x3FB6];
	_ =	sdelay $0x3  }
0x33: {  	p0 =	seq.s32 s10, $0x1;
	s10 =	sld [smem:$0x3FB8];
	_ =	sdelay $0x3  }
0x34: {  	[smem:$0x3FB8] =	sst s10  }
0x35: {  	s10 =	sld [smem:$0x3FB7];
	_ =	sdelay $0x3  }
0x36: {  	p1 =	seq.s32 s10, $0x1;
	s10 =	sld [smem:$0x3FB8];
	_ =	sdelay $0x3  }
0x37: {  	[smem:$0x3FB8] =	sst s10  }
0x38: {  	s10 =	sld [smem:$0x3FB9]  }
0x39: {  	_ = 	snop;
	(pc) =	sbr.ind lr, $3  }
0x3a: {  	_ = 	snop  }
0x3b: {  	_ = 	snop  }
0x3c: {  	p2 =	seq.s32 s10, $0x1;
	s10 =	sld [smem:$0x3FB8]  }
0x3d: {  	_ =	shalt  }
0x3e: {  	_ =	shalt  }
0x3f: {  	_ =	shalt  }
0x40: {  	_ =	shalt  }
0x41: {  	_ =	shalt  }
0x42: {  	_ =	shalt  }
0x43: {  	_ =	shalt  }
0x44: {  	_ =	shalt  }
0x45: {  	_ =	shalt  }
0x46: {  	_ =	shalt  }
0x47: {  	_ =	shalt  }
0x48: {  	_ =	shalt  }
0x49: {  	_ =	shalt  }
0x4a: {  	_ =	shalt  }
0x4b: {  	_ =	shalt  }
0x4c: {  	_ =	shalt  }
0x4d: {  	_ =	shalt  }
0x4e: {  	_ =	shalt  }
0x4f: {  	_ =	shalt  }
0x50: {  	_ =	shalt  }
0x51: {  	_ =	shalt  }
0x52: {  	_ =	shalt  }
0x53: {  	_ =	shalt  }
0x54: {  	_ =	shalt  }
0x55: {  	_ =	shalt  }
0x56: {  	_ =	shalt  }
0x57: {  	_ =	shalt  }
0x58: {  	_ =	shalt  }
0x59: {  	_ =	shalt  }
0x5a: {  	_ =	shalt  }
0x5b: {  	_ =	shalt  }
0x5c: {  	_ =	shalt  }
0x5d: {  	_ =	shalt  }
0x5e: {  	_ =	shalt  }
0x5f: {  	_ =	shalt  }
0x60: {  	_ =	shalt  }
0x61: {  	_ =	shalt  }
0x62: {  	_ =	shalt  }
0x63: {  	_ =	shalt  }
0x64: {  	_ =	shalt  }
0x65: {  	_ =	shalt  }
0x66: {  	_ =	shalt  }
0x67: {  	_ =	shalt  }
0x68: {  	_ =	shalt  }
0x69: {  	_ =	shalt  }
0x6a: {  	_ =	shalt  }
0x6b: {  	_ =	shalt  }
0x6c: {  	_ =	shalt  }
0x6d: {  	_ =	shalt  }
0x6e: {  	_ =	shalt  }
0x6f: {  	_ =	shalt  }
0x70: {  	_ =	shalt  }
0x71: {  	_ =	shalt  }
0x72: {  	_ =	shalt  }
0x73: {  	_ =	shalt  }
0x74: {  	_ =	shalt  }
0x75: {  	_ =	shalt  }
0x76: {  	_ =	shalt  }
0x77: {  	_ =	shalt  }
0x78: {  	_ =	shalt  }
0x79: {  	_ =	shalt  }
0x7a: {  	_ =	shalt  }
0x7b: {  	_ =	shalt  }
0x7c: {  	_ =	shalt  }
0x7d: {  	_ =	shalt  }
0x7e: {  	_ =	shalt  }
0x7f: {  	_ =	shalt  }
0x80: {  	_ =	shalt  }
0x81: {  	_ =	shalt  }
0x82: {  	_ =	shalt  }
0x83: {  	_ =	shalt  }
0x84: {  	_ =	shalt  }
0x85: {  	_ =	shalt  }
0x86: {  	_ =	shalt  }
0x87: {  	_ =	shalt  }
.Lfunc_end0:
.L_simem_size_0:
called_computation.1_lowered:
.L_overlay_start_0:
0x88: {  	s2 =	sld [smem:$0x3FD9]  }
0x89: {  	s3 =	sld [smem:$0x3FFE];
	_ =	sdelay $0x1  }
0x8a: {  	s1 =	srdreg.scid  }
0x8b: {  	s0 =	sand.u32 $0x1, s1  }
0x8c: {  	s17 =	sshll.u32 s0, $0xA;
	s2 =	sadd.s32 s3, s2  }
0x8d: {  	s2 =	sadd.s32 s2, s17  }
0x8e: {  	[smem:$0x3FC4] =	sst s2  }
0x8f: {  	_ = 	snop  }
0x90: {  	s2 =	sld [smem:$0x3FD0];
	(tm) =	ssettm $0x1  }
0x91: {  	s18 =	sld [smem:$0x3FFB];
	_ =	sdelay $0x3  }
0x92: {  	_ =	strace s18  }
0x93: {  	s3 =	sld [smem:$0x3FFC];
	_ =	sdelay $0x3  }
0x94: {  	_ =	strace s3  }
0x95: {  	s3 =	sld [smem:$0x3FFD];
	_ =	sdelay $0x3  }
0x96: {  	_ =	strace s3  }
0x97: {  	_ =	strace $0x8FFFFFFF  }
0x98: {  	s19 =	sld [smem:$0x3FDB];
	_ =	sdelay $0x1  }
0x99: {  	s4 =	simm.s32 $_scs_section_size  }
0x9a: {  	s5 =	simm.s32 $_size__tile_overlayer_lowered;
	s6 =	simm.s32 $_tile_overlayer_lowered  }
0x9b: {  	s22 =	simm.s32 $0x1BFF;
	s21 =	sshll.u32 s6, $0x1;
	s3 =	sadd.s32 s4, s19  }
0x9c: {  	s7 =	simm.s32 $0x0;
	s20 =	sshll.u32 s5, $0x1;
	s5 =	sadd.s32 s21, s3  }
0x9d: {  	[timem:s7], [sflag:s22] =	dma.local [hbm:s5], s20  }
0x9e: {  	_ =	swait.ge [sflag:s22], s20  }
0x9f: {  	s4 =	ssub.s32 $0x0, s20;
	[sflag:s22] =	ssyncset.done $0x0  }
0xa0: {  	[sflag:s22] =	ssyncadd.s32 s4;
	_ =	sdelay $0x1  }
0xa1: {  	s23 =	simm.s32 $0x1B8B  }
0xa2: {  	_ =	swait.ge [sflag:s23], $0x1  }
0xa3: {  	[sflag:s23] =	ssyncset.done $0x0  }
0xa4: {  	s25 =	simm.s32 $0x1B8E;
	s24 =	sld [smem:$0x3FFE];
	[sflag:s23] =	ssyncadd.s32 $0xFFFFFFFF  }
0xa5: {  	s26 =	simm.s32 $execute0_lowered;
	[smem:$0x3FD2] =	sst s25  }
0xa6: {  	s5 =	sshll.u32 s26, $0x1;
	_ =	strace $0x80000049;
	[dreg:$0x1] =	wrdreg $0xFFFFFFFF  }
0xa7: {  	s28 =	simm.s32 $_size_execute0_lowered;
	s3 =	sadd.s32 s3, s5;
	[dreg:$0x0] =	wrdreg $0x0  }
0xa8: {  	s5 =	sshll.u32 s28, $0x1;
	[dreg:$0x2] =	wrdreg s3  }
0xa9: {  	[dreg:$0x3] =	wrdreg s5  }
0xaa: {  	[dreg:$0x4] =	wrdreg $0xC0  }
0xab: {  	_ =	task [dreg:s7], $0x5FFFF  }
0xac: {  	[dreg:$0x1] =	wrdreg $0xFFFFFFFF  }
0xad: {  	[dreg:$0x0] =	wrdreg $0x60  }
0xae: {  	[dreg:$0x2] =	wrdreg s2  }
0xaf: {  	[dreg:$0x3] =	wrdreg s24  }
0xb0: {  	[dreg:$0x4] =	wrdreg $0x90000  }
0xb1: {  	[dreg:$0x5] =	wrdreg $0x9  }
0xb2: {  	_ =	task.clear_ibuf [dreg:s7], $0x6FFFF;
	_ =	strace $0x90000049  }
0xb3: {  	s29 =	simm.s32 $0x9;
	_ =	strace $0x8000004B  }
0xb4: {  	_ =	swait.ge [sflag:s29], $0x1  }
0xb5: {  	[sflag:s29] =	ssyncadd.s32 $0xFFFFFFFF  }
0xb6: {  	_ =	strace $0x9000004B  }
0xb7: {  	_ =	sfence  }
0xb8: {  	s30 =	sld [smem:$0x0];
	_ =	sdelay $0x2  }
0xb9: {  	s31 =	sshll.u32 s1, $0xD;
	s1 =	sshrl.u32 s1, $0x2  }
0xba: {  	s3 =	sand.u32 $0x4000, s31;
	s1 =	sadd.s32 s1, s30  }
0xbb: {  	s0 =	sor.u32 s3, s0;
	s1 =	sshll.u32 s1, $0x11  }
0xbc: {  	s0 =	sor.u32 s1, s0  }
0xbd: {  	s0 =	sadd.s32 $0x8F2B, s0  }
0xbe: {  	[sflag:s0] =	ssyncadd.remote.s32 $0x1  }
0xbf: {  	_ =	sfence.sel $0xFFFF  }
0xc0: {  	[dreg:$0x0] =	wrdreg $0xFFFFFFFF;
	(pc) =	sbr.abs _section_cstart, $3  }
0xc1: {  	[dreg:$0x1] =	wrdreg $0xFFFFFFFF  }
0xc2: {  	_ =	task.clear_ibuf [dreg:s7], $0x2FFFF;
	_ =	strace $0x9FFFFFFF  }
0xc3: {  	(tm) =	ssettm $0x7FFFFFFF  }
tec
execute0_lowered:
.L_overlay_start_1:
0x0: {  	(tag) =	ssettag $0x1  }
0x1: {  	s1 =	rddreg [dreg:$0x0]  }
0x2: {  	s2 =	srdreg.scid;
	s5 =	rddreg [dreg:$0x1]  }
0x3: {  	s0 =	stileid.u32;
	s3 =	rddreg [dreg:$0x2];
	s4 =	simm.s32 $0x0  }
0x4: {  	s21 =	simm.s32 $0x80;
	s22 =	simm.s32 $0x1;
	s7 =	sand.u32 $0x1, s2  }
0x5: {  	s29 =	sshll.u32 s0, $0x1;
	s2 =	rddreg [dreg:$0x3];
	s8 =	smul.u32 $0x50000, s0  }
0x6: {  	[smem:$0x7FF] =	sst s4;
	s10 =	smul.u32 $0x14000, s0;
	s16 =	sadd.s32 $0x15200, s5  }
0x7: {  	s6 =	sor.u32 s7, s29;
	s30 =	ssub.s32 $0x2, s7;
	s18 =	smul.u32 $0x140000, s7  }
0x8: {  	_ =	strace $0x8000004A;
	s6 =	smul.u32 $0x500, s6;
	s31 =	sshrl.u32 s30, $0x1  }
0x9: {  	s8 =	sshrl.u32 s8, $0x2;
	s12 =	sadd.s32 $0x4000, s10;
	s14 =	sadd.s32 $0x8000, s10  }
0xa: {  	s15 =	sadd.s32 $0xC000, s10;
	s19 =	sadd.s32 $0x10000, s10;
	s17 =	ssub.s32 s30, s31  }
0xb: {  	s7 =	sadd.s32 s14, s3;
	s9 =	sadd.s32 s19, s3;
	s13 =	sadd.s32 s10, s18  }
0xc: {  	s14 =	sadd.s32 s18, s14;
	s11 =	sadd.s32 s6, s5;
	s5 =	sadd.s32 s8, s3  }
0xd: {  	s6 =	sadd.s32 s12, s3;
	s8 =	sadd.s32 s15, s3;
	s12 =	sadd.s32 s18, s12  }
0xe: {  	s13 =	sshrl.u32 s13, $0x3;
	s15 =	sadd.s32 s18, s15;
	s18 =	sadd.s32 s18, s19  }
0xf: {  	s14 =	sshrl.u32 s14, $0x3;
	s17 =	smax.u32 s17, $0x1;
	s19 =	simm.s32 $0x2  }
0x10: {  	s10 =	sadd.s32 $0xB200, s11;
	s20 =	sshrl.u32 s12, $0x3;
	s11 =	sadd.s32 $0x1200, s11  }
0x11: {  	s12 =	sadd.s32 s16, s13;
	s15 =	sshrl.u32 s15, $0x3;
	s18 =	sshrl.u32 s18, $0x3  }
0x12: {  	s14 =	sadd.s32 s16, s14;
	s13 =	sadd.s32 s16, s20;
	s15 =	sadd.s32 s16, s15  }
0x13: {  	v0 =	vimm.f32 $0.0e+00;
	s16 =	sadd.s32 s16, s18;
	s18 =	simm.s32 $0x5000;
	s20 =	simm.s32 $0x2800  }
.LBB2_1:
0x14: {  	s23 =	simm.s32 $0x0;
	s24 =	simm.s32 $0x200  }
.LBB2_2:
0x15: {  	p0 =	sne.s32 s24, $0xFE00;
	[tilespmem:s23+$0x5070] =	vst v0  }
0x16: {  	[tilespmem:s23+$0x5000] =	vst v0  }
0x17: {  	[tilespmem:s23+$0x5010] =	vst v0  }
.Ltmp0:
0x18: {  	[tilespmem:s23+$0x5020] =	vst v0;
	(pc) =	sbr.rel @p0 .LBB2_2-.Ltmp0, $4  }
0x19: {  	[tilespmem:s23+$0x5030] =	vst v0  }
0x1a: {  	[tilespmem:s23+$0x5040] =	vst v0  }
0x1b: {  	[tilespmem:s23+$0x5050] =	vst v0  }
0x1c: {  	[tilespmem:s23+$0x5060] =	vst v0;
	s23 =	sshra.s32 s24, $0x2;
	s24 =	sadd.s32 $0x200, s24  }
0x1d: {  	[tilespmem:s23+$0x5070] =	vst v0  }
0x1e: {  	[tilespmem:s23+$0x5000] =	vst v0  }
0x1f: {  	[tilespmem:s23+$0x5010] =	vst v0  }
0x20: {  	[tilespmem:s23+$0x5020] =	vst v0  }
0x21: {  	[tilespmem:s23+$0x5030] =	vst v0  }
0x22: {  	[tilespmem:s23+$0x5040] =	vst v0  }
0x23: {  	[tilespmem:s23+$0x5050] =	vst v0  }
0x24: {  	[tilespmem:s23+$0x5060] =	vst v0  }
0x25: {  	[spmem:s5] =	stream.linear.scatter [tilespmem:s18], [sflag:$0x2], $0x4000, $0x38;
	[tilespmem:$0x1D000] =	vst v63  }
0x26: {  	_ =	swait.ge [sflag:s19], $0x4000  }
0x27: {  	[sflag:s19] =	ssyncset.done $0x0  }
0x28: {  	[sflag:s19] =	ssyncadd.s32 $0xFFFFC000  }
0x29: {  	[spmem:s6] =	stream.linear.scatter [tilespmem:s18], [sflag:$0x2], $0x4000, $0x38;
	[tilespmem:$0x1D000] =	vst v63  }
0x2a: {  	_ =	swait.ge [sflag:s19], $0x4000  }
0x2b: {  	[sflag:s19] =	ssyncset.done $0x0  }
0x2c: {  	[sflag:s19] =	ssyncadd.s32 $0xFFFFC000  }
0x2d: {  	[spmem:s7] =	stream.linear.scatter [tilespmem:s18], [sflag:$0x2], $0x4000, $0x38;
	[tilespmem:$0x1D000] =	vst v63  }
0x2e: {  	_ =	swait.ge [sflag:s19], $0x4000  }
0x2f: {  	[sflag:s19] =	ssyncset.done $0x0  }
0x30: {  	[sflag:s19] =	ssyncadd.s32 $0xFFFFC000  }
0x31: {  	[spmem:s8] =	stream.linear.scatter [tilespmem:s18], [sflag:$0x2], $0x4000, $0x38;
	[tilespmem:$0x1D000] =	vst v63  }
0x32: {  	_ =	swait.ge [sflag:s19], $0x4000  }
0x33: {  	[sflag:s19] =	ssyncset.done $0x0  }
0x34: {  	[sflag:s19] =	ssyncadd.s32 $0xFFFFC000  }
0x35: {  	[spmem:s9] =	stream.linear.scatter [tilespmem:s18], [sflag:$0x2], $0x4000, $0x38;
	[tilespmem:$0x1D000] =	vst v63  }
0x36: {  	_ =	swait.ge [sflag:s19], $0x4000  }
0x37: {  	[sflag:s19] =	ssyncset.done $0x0  }
0x38: {  	s29 =	simm.s32 $0x0;
	[sflag:s19] =	ssyncadd.s32 $0xFFFFC000  }
0x39: {  	[tilespmem:s29], [sflag:$0x2] =	stream.linear.gather [hbm4b:s10+s29], $0x2780, $0x38;
	[tilespmem:$0x1D000] =	vst v63  }
0x3a: {  	_ =	swait.ge [sflag:s19], $0x2780  }
0x3b: {  	[sflag:s19] =	ssyncset.done $0x0  }
0x3c: {  	[sflag:s19] =	ssyncadd.s32 $0xFFFFD880  }
0x3d: {  	[tilespmem:s20], [sflag:$0x2] =	stream.linear.gather [hbm4b:s11+s29], $0x2780, $0x38;
	[tilespmem:$0x1D000] =	vst v63  }
0x3e: {  	_ =	swait.ge [sflag:s19], $0x2780  }
0x3f: {  	[sflag:s19] =	ssyncset.done $0x0  }
0x40: {  	[sflag:s19] =	ssyncadd.s32 $0xFFFFD880  }
0x41: {  	s30 =	simm.s32 $0x0;
	[bflag:$0x0] =	sbarrier.arrive $0xFFFF  }
0x42: {  	[tilespmem:s18], [sflag:$0x1] =	stream.indirect.gather [hbm4b:s1+s21], $0x80, s30, s21, $0xb8;
	[tilespmem:$0x1D000] =	vst v63  }
0x43: {  	_ =	swait.ge [sflag:s22], $0x4000  }
0x44: {  	[sflag:s22] =	ssyncset.done $0x0  }
0x45: {  	s31 =	simm.s32 $0x2800;
	[sflag:s22] =	ssyncadd.s32 $0xFFFFC000  }
0x46: {  	[spmem:s3] =	stream.indirect.scatter.add.f32 [tilespmem:s18], [sflag:$0x2], $0x80, s31, s21, $0xb8;
	[tilespmem:$0x1D000] =	vst v63  }
0x47: {  	_ =	swait.ge [sflag:s19], $0x4000  }
0x48: {  	s23 =	simm.s32 $0x200;
	s24 =	simm.s32 $0x400;
	[sflag:s19] =	ssyncset.done $0x0  }
.LBB2_4:
0x49: {  	s25 =	sshra.s32 s23, $0x2  }
0x4a: {  	[sflag:s19] =	ssyncadd.s32 $0xFFFFC000;
	s23 =	smov.u32 s24;
	s26 =	sadd.s32 $0x200, s24  }
0x4b: {  	[tilespmem:s18], [sflag:$0x1] =	stream.indirect.gather [hbm4b:s1+s21], $0x80, s25, s21, $0xb8;
	[tilespmem:$0x1D000] =	vst v63  }
0x4c: {  	p0 =	sne.s32 s24, $0x9C00;
	_ =	swait.ge [sflag:s22], $0x4000  }
.Ltmp1:
0x4d: {  	[sflag:s22] =	ssyncset.done $0x0;
	(pc) =	sbr.rel @p0 .LBB2_4-.Ltmp1, $4  }
0x4e: {  	s24 =	sadd.s32 $0x2800, s25;
	[sflag:s22] =	ssyncadd.s32 $0xFFFFC000  }
0x4f: {  	[spmem:s3] =	stream.indirect.scatter.add.f32 [tilespmem:s18], [sflag:$0x2], $0x80, s24, s21, $0xb8;
	[tilespmem:$0x1D000] =	vst v63  }
0x50: {  	_ =	swait.ge [sflag:s19], $0x4000  }
0x51: {  	s24 =	smov.u32 s26;
	[sflag:s19] =	ssyncset.done $0x0  }
0x52: {  	s23 =	sshra.s32 s23, $0x2;
	[sflag:s19] =	ssyncadd.s32 $0xFFFFC000  }
0x53: {  	[tilespmem:s18], [sflag:$0x1] =	stream.indirect.gather [hbm4b:s1+s21], $0x80, s23, s21, $0xb8;
	[tilespmem:$0x1D000] =	vst v63  }
0x54: {  	_ =	swait.ge [sflag:s22], $0x4000  }
0x55: {  	[sflag:s22] =	ssyncset.done $0x0  }
0x56: {  	s23 =	sadd.s32 $0x2800, s23;
	[sflag:s22] =	ssyncadd.s32 $0xFFFFC000  }
0x57: {  	[spmem:s3] =	stream.indirect.scatter.add.f32 [tilespmem:s18], [sflag:$0x2], $0x80, s23, s21, $0xb8;
	[tilespmem:$0x1D000] =	vst v63  }
0x58: {  	_ =	swait.ge [sflag:s19], $0x4000  }
0x59: {  	[sflag:s19] =	ssyncset.done $0x0  }
0x5a: {  	s26 =	sshll.u32 s0, $0x6;
	[sflag:s19] =	ssyncadd.s32 $0xFFFFC000  }
0x5b: {  	s24 =	sshrl.u32 s5, $0x3;
	s23 =	sor.u32 $0x1C02, s26;
	[bflag:$0x0] =	sbarrier.arrive $0xFFFF  }
0x5c: {  	[hbm:s12], [sflag:s23] =	dma.local [spmem:s24], $0x800  }
0x5d: {  	_ =	swait.ge [sflag:s19], $0x800  }
0x5e: {  	[sflag:s19] =	ssyncset.done $0x0  }
0x5f: {  	s28 =	sshrl.u32 s6, $0x3;
	[sflag:s19] =	ssyncadd.s32 $0xFFFFF800  }
0x60: {  	[hbm:s13], [sflag:s23] =	dma.local [spmem:s28], $0x800  }
0x61: {  	_ =	swait.ge [sflag:s19], $0x800  }
0x62: {  	[sflag:s19] =	ssyncset.done $0x0  }
0x63: {  	s29 =	sshrl.u32 s7, $0x3;
	[sflag:s19] =	ssyncadd.s32 $0xFFFFF800  }
0x64: {  	[hbm:s14], [sflag:s23] =	dma.local [spmem:s29], $0x800  }
0x65: {  	_ =	swait.ge [sflag:s19], $0x800  }
0x66: {  	[sflag:s19] =	ssyncset.done $0x0  }
0x67: {  	s30 =	sshrl.u32 s8, $0x3;
	[sflag:s19] =	ssyncadd.s32 $0xFFFFF800  }
0x68: {  	[hbm:s15], [sflag:s23] =	dma.local [spmem:s30], $0x800  }
0x69: {  	s4 =	sadd.s32 $0x1, s4;
	_ =	swait.ge [sflag:s19], $0x800  }
0x6a: {  	p0 =	sne.s32 s4, s17;
	[sflag:s19] =	ssyncset.done $0x0  }
.Ltmp2:
0x6b: {  	s31 =	sshrl.u32 s9, $0x3;
	[sflag:s19] =	ssyncadd.s32 $0xFFFFF800;
	(pc) =	sbr.rel @p0 .LBB2_1-.Ltmp2, $4  }
0x6c: {  	[hbm:s16], [sflag:s23] =	dma.local [spmem:s31], $0x800  }
0x6d: {  	_ =	swait.ge [sflag:s19], $0x800  }
0x6e: {  	[sflag:s19] =	ssyncset.done $0x0  }
0x6f: {  	[sflag:s19] =	ssyncadd.s32 $0xFFFFF800  }
0x70: {  	_ =	sfence.sel $0x180000  }
0x71: {  	[bflag:$0x0] =	sbarrier.arrive $0xFFFF  }
0x72: {  	p0 =	sne.s32 s0, $0x0;
	_ =	strace $0x9000004A  }
0x73: {  	s0 =	sadd.s32 @!p0 $0x100000, s2;
	[bflag:$0x2] =	sbarrier.arrive $0xFFFF  }
0x74: {  	[sflag:s0] =	ssyncadd.tile.s32 @!p0 $0x1;
	_ =	shalt  }
.Lfunc_end2:
_tile_overlayer_lowered:
.L_overlay_start_2:
0x75: {  	(tag) =	ssettag $0x2  }
0x76: {  	s0 =	rddreg [dreg:$0x0];
	s2 =	stileid.u32  }
0x77: {  	s1 =	rddreg [dreg:$0x1];
	p0 =	sne.s32 s2, $0x0  }
0x78: {  	s3 =	rddreg [dreg:$0x2];
	[bflag:$0x3] =	sbarrier.arrive $0xFFFF;
	s2 =	simm.s32 @!p0 $0x1C02  }
0x79: {  	[timem:s3], [sflag:s2] =	dma.local @!p0 [hbm:s0], s1  }
0x7a: {  	s0 =	simm.s32 @!p0 $0x2  }
0x7b: {  	_ =	swait.ge @!p0 [sflag:s0], s1  }
0x7c: {  	s1 =	ssub.s32 @!p0 $0x0, s1;
	[sflag:s0] =	ssyncset.done @!p0 $0x0  }
0x7d: {  	[sflag:s0] =	ssyncadd.s32 @!p0 s1  }
0x7e: {  	[bflag:$0x3] =	sbarrier.arrive $0xFFFF  }
0x7f: {  	_ =	shalt  }

</sc_bundles>
